<compile_context>
chip_gen: v7x
topology: tpu7x:2x2x1
jax: 0.10.2.dev20260603
libtpu: 0.0.44.dev20260713+nightly
codegen_flags: <defaults>
</compile_context>

<pallas_src>
import functools

import jax
import jax.numpy as jnp
from jax import lax
from jax.experimental import pallas as pl
from jax.experimental.pallas import tpu as pltpu
from jax.experimental.pallas import tpu_sc as plsc

_MT = 512
_NC, _NS, _L = 2, 16, 16
_CH = 128


_NT = (((1,), (1,)), ((), ()))


def _tc_body(x_ref, wp_ref, bp_ref, cb_ref, cbh_ref, idx_ref, loss_ref,
             e2_ref, ids_ref):
    i = pl.program_id(0)
    K = cb_ref.shape[0]

    @pl.when(i == 0)
    def _init():
        cb = cb_ref[...]
        e2_ref[...] = jnp.sum(cb * cb, axis=1).reshape(1, K)
        loss_ref[...] = jnp.zeros((1, 1), jnp.float32)
        ids_ref[...] = lax.broadcasted_iota(
            jnp.int32, ids_ref.shape, 1).astype(jnp.float32)

    ids_b = ids_ref[...]

    z = lax.dot_general(x_ref[...], wp_ref[...], _NT,
                        preferred_element_type=jnp.float32) + bp_ref[...]
    zm2 = (-2.0 * z).astype(jnp.bfloat16)
    dots_m2 = lax.dot_general(zm2, cbh_ref[...], _NT,
                              preferred_element_type=jnp.float32)
    z2 = jnp.sum(z * z, axis=1, keepdims=True)
    dist = (z2 + dots_m2) + e2_ref[...]
    mind = jnp.min(dist, axis=1, keepdims=True)
    idx = jnp.min(jnp.where(dist == mind, ids_b, jnp.float32(K)),
                  axis=1).astype(jnp.int32)
    idx_ref[...] = idx
    loss_ref[...] = loss_ref[...] + jnp.sum(mind).reshape(1, 1)


def _tc_call(xf, Wp, bp2, cb):
    M, F = xf.shape
    K, D = cb.shape
    grid = (M // _MT,)
    return pl.pallas_call(
        _tc_body,
        grid=grid,
        in_specs=[
            pl.BlockSpec((_MT, F), lambda i: (i, 0)),
            pl.BlockSpec((D, F), lambda i: (0, 0)),
            pl.BlockSpec((1, D), lambda i: (0, 0)),
            pl.BlockSpec((K, D), lambda i: (0, 0)),
            pl.BlockSpec((K, D), lambda i: (0, 0)),
        ],
        out_specs=[
            pl.BlockSpec((_MT,), lambda i: (i,)),
            pl.BlockSpec((1, 1), lambda i: (0, 0)),
        ],
        out_shape=[
            jax.ShapeDtypeStruct((M,), jnp.int32),
            jax.ShapeDtypeStruct((1, 1), jnp.float32),
        ],
        scratch_shapes=[pltpu.VMEM((1, K), jnp.float32),
                        pltpu.VMEM((1, K), jnp.float32)],
        compiler_params=pltpu.CompilerParams(
            dimension_semantics=("arbitrary",)),
    )(xf, Wp, bp2, cb, cb.astype(jnp.bfloat16))


def _make_sc_gather(M, N, D):
    NW = _NC * _NS
    bpw = M // NW
    nrounds = bpw // _CH
    mesh = plsc.VectorSubcoreMesh(core_axis_name="c", subcore_axis_name="s")

    assert nrounds == 2

    @functools.partial(
        pl.kernel, mesh=mesh,
        out_type=jax.ShapeDtypeStruct((M, D), jnp.float32),
        scratch_types=[
            pltpu.VMEM((_CH,), jnp.int32),
            pltpu.VMEM((_CH,), jnp.int32),
            pltpu.VMEM((_CH, D), jnp.float32),
            pltpu.VMEM((_CH, D), jnp.float32),
            pltpu.VMEM((_CH, D), jnp.float32),
            pltpu.SemaphoreType.DMA,
            pltpu.SemaphoreType.DMA,
            pltpu.SemaphoreType.DMA,
        ],
    )
    def sc_gather(cb_hbm, idx_hbm, pos_hbm, out_hbm,
                  idx0, idx1, rows0, rows1, pos_v, sem0, sem1, semw):
        wid = lax.axis_index("s") * _NC + lax.axis_index("c")
        base0 = wid * bpw
        base1 = base0 + _CH
        pltpu.sync_copy(idx_hbm.at[pl.ds(base0, _CH)], idx0)
        g0 = pltpu.async_copy(cb_hbm.at[idx0], rows0, sem0)
        pltpu.sync_copy(idx_hbm.at[pl.ds(base1, _CH)], idx1)
        g1 = pltpu.async_copy(cb_hbm.at[idx1], rows1, sem1)

        def add_pos(rows_v):
            def body(i, c):
                for j in range(D // _L):
                    sl = pl.ds(j * _L, _L)
                    plsc.addupdate(rows_v.at[i, sl], pos_v[i, sl])
                return c
            lax.fori_loop(0, _CH, body, 0)

        pltpu.sync_copy(pos_hbm.at[pl.ds(lax.rem(base0, N), _CH)], pos_v)
        g0.wait()
        add_pos(rows0)
        w0 = pltpu.async_copy(rows0, out_hbm.at[pl.ds(base0, _CH)], semw)
        pltpu.sync_copy(pos_hbm.at[pl.ds(lax.rem(base1, N), _CH)], pos_v)
        g1.wait()
        add_pos(rows1)
        pltpu.sync_copy(rows1, out_hbm.at[pl.ds(base1, _CH)])
        w0.wait()

    return sc_gather


def kernel(x, Wp, bp, codebook, pos_emb):
    B, N, F = x.shape
    D = Wp.shape[0]
    K = codebook.shape[0]
    M = B * N

    xf = x.reshape(M, F)
    bp2 = bp.reshape(1, D)
    pos2 = pos_emb.reshape(N, D)

    idx_flat, loss_sum = _tc_call(xf, Wp, bp2, codebook)

    out_flat = _make_sc_gather(M, N, D)(codebook, idx_flat, pos2)
    out = out_flat.reshape(B, N, D)
    commit_loss = loss_sum[0, 0] / jnp.float32(M * D)
    return (out, commit_loss)

# --- scband reference (transcript-rebuilt; emitter-appended) ---
"""Pipeline reference for scband-vqtokenizer-56633438765669 (READ-ONLY COPY).

The authoritative reference and input builder live on the scoring server;
editing this copy changes nothing except your own understanding.
"""

import jax, jax.numpy as jnp
import numpy as np


def setup_inputs(seed: int = 0) -> dict:
    key = jax.random.key(seed)
    ks = jax.random.split(key, 5)
    B, N, F, D, K = 16, 512, 129, 256, 8192
    x = jax.random.normal(ks[0], (B, N, F), dtype=jnp.float32)
    Wp = jax.random.normal(ks[1], (D, F), dtype=jnp.float32) / np.sqrt(F)
    bp = jnp.zeros((D,), dtype=jnp.float32)
    codebook = jax.random.normal(ks[2], (K, D), dtype=jnp.float32)
    pos_emb = jax.random.normal(ks[3], (1, N, D), dtype=jnp.float32)
    return {"x": x, "Wp": Wp, "bp": bp, "codebook": codebook, "pos_emb": pos_emb}


def reference(x, Wp, bp, codebook, pos_emb):
    # vq_proj: Linear(129 -> d_model)
    z = jnp.einsum('bnf,df->bnd', x, Wp) + bp
    # VectorQuantize: euclidean nearest-neighbor codebook lookup
    z2 = jnp.sum(z * z, axis=-1, keepdims=True)            # [B, N, 1]
    e2 = jnp.sum(codebook * codebook, axis=-1)             # [K]
    dist = z2 - 2.0 * jnp.einsum('bnd,kd->bnk', z, codebook) + e2  # [B, N, K]
    idx = jnp.argmin(dist, axis=-1)                        # [B, N]
    q = jnp.take(codebook, idx, axis=0)                    # [B, N, D]
    # commitment loss (quantized detached, as in vector-quantize-pytorch)
    commit_loss = jnp.mean((jax.lax.stop_gradient(q) - z) ** 2)
    # straight-through estimator
    q_st = z + jax.lax.stop_gradient(q - z)
    out = q_st + pos_emb
    return (out, commit_loss)

if __name__ == "__main__":
    import jax
    _d = setup_inputs()
    print(jax.jit(kernel)(*tuple(_d.values())))

</pallas_src>

<mosaic_0001>
#map = affine_map<(d0, d1) -> (0, 0)>
#map1 = affine_map<(d0, d1) -> (0)>
module attributes {stable_mosaic.version = 14 : i64} {
  func.func @sc_gather(%arg0: i32, %arg1: i32, %arg2: memref<8192x256xf32, #tpu.memory_space<hbm>>, %arg3: memref<8192xi32, #tpu.memory_space<hbm>>, %arg4: memref<512x256xf32, #tpu.memory_space<hbm>>, %arg5: memref<8192x256xf32, #tpu.memory_space<hbm>>, %arg6: memref<128xi32, #tpu.memory_space<vmem>>, %arg7: memref<128xi32, #tpu.memory_space<vmem>>, %arg8: memref<128x256xf32, #tpu.memory_space<vmem>>, %arg9: memref<128x256xf32, #tpu.memory_space<vmem>>, %arg10: memref<128x256xf32, #tpu.memory_space<vmem>>, %arg11: memref<!tpu.dma_semaphore, #tpu.memory_space<semaphore_mem>>, %arg12: memref<!tpu.dma_semaphore, #tpu.memory_space<semaphore_mem>>, %arg13: memref<!tpu.dma_semaphore, #tpu.memory_space<semaphore_mem>>) attributes {dimension_semantics = [#tpu.dimension_semantics<core_parallel>, #tpu.dimension_semantics<subcore_parallel>], iteration_bounds = array<i64: 2, 16>, scalar_prefetch = 0 : i64, scratch_operands = 8 : i64, tpu.core_type = #tpu.core_type<sc_vector_subcore>, window_params = [{transform_indices = #map}, {transform_indices = #map1}, {transform_indices = #map}, {transform_indices = #map}]} {
    %mul3A = arith.constant 2 : i32
    %mul3A_0 = arith.muli %arg1, %mul3A : i32
    %add3A = arith.addi %mul3A_0, %arg0 : i32
    %mul3A_1 = arith.constant 256 : i32
    %mul3A_2 = arith.muli %add3A, %mul3A_1 : i32
    %add3A_3 = arith.constant 128 : i32
    %add3A_4 = arith.addi %mul3A_2, %add3A_3 : i32
    "tpu.region"() ({
      %run_scoped3A = tpu.sem_alloc : memref<!tpu.dma_semaphore, #tpu.memory_space<semaphore_mem>>
      %dma_start3A_37 = tpu.memref_slice %arg3[%mul3A_2] : memref<8192xi32, #tpu.memory_space<hbm>> -> memref<128xi32, #tpu.memory_space<hbm>>
      %dma_start3A_38 = tpu.memref_slice %arg3[%mul3A_2] : memref<8192xi32, #tpu.memory_space<hbm>> -> memref<128xi32, #tpu.memory_space<hbm>>
      tpu.enqueue_dma source(%dma_start3A_38 : memref<128xi32, #tpu.memory_space<hbm>>) target(%arg6 : memref<128xi32, #tpu.memory_space<vmem>>) target_semaphore(%run_scoped3A : memref<!tpu.dma_semaphore, #tpu.memory_space<semaphore_mem>>)
      %dma_wait3A_39 = tpu.memref_slice %arg3[%mul3A_2] : memref<8192xi32, #tpu.memory_space<hbm>> -> memref<128xi32, #tpu.memory_space<hbm>>
      %dma_wait3A_40 = tpu.memref_slice %arg3[%mul3A_2] : memref<8192xi32, #tpu.memory_space<hbm>> -> memref<128xi32, #tpu.memory_space<hbm>>
      tpu.wait_dma2 semaphore(%run_scoped3A : memref<!tpu.dma_semaphore, #tpu.memory_space<semaphore_mem>>) src(%dma_wait3A_40 : memref<128xi32, #tpu.memory_space<hbm>>) dst(%arg6 : memref<128xi32, #tpu.memory_space<vmem>>)
      tpu.yield
    }) : () -> ()
    %dma_start3A = arith.constant 0 : i32
    %dma_start3A_5 = arith.constant 0 : i32
    %dma_start3A_6 = tpu.memref_slice %arg2[%dma_start3A, %dma_start3A_5] : memref<8192x256xf32, #tpu.memory_space<hbm>> -> memref<8192x256xf32, #tpu.memory_space<hbm>>
    tpu.enqueue_indirect_dma source(%dma_start3A_6 : memref<8192x256xf32, #tpu.memory_space<hbm>>) target(%arg8 : memref<128x256xf32, #tpu.memory_space<vmem>>) offsets(%arg6 : memref<128xi32, #tpu.memory_space<vmem>>) semaphore(%arg11 : memref<!tpu.dma_semaphore, #tpu.memory_space<semaphore_mem>>)
    "tpu.region"() ({
      %run_scoped3A = tpu.sem_alloc : memref<!tpu.dma_semaphore, #tpu.memory_space<semaphore_mem>>
      %dma_start3A_37 = tpu.memref_slice %arg3[%add3A_4] : memref<8192xi32, #tpu.memory_space<hbm>> -> memref<128xi32, #tpu.memory_space<hbm>>
      %dma_start3A_38 = tpu.memref_slice %arg3[%add3A_4] : memref<8192xi32, #tpu.memory_space<hbm>> -> memref<128xi32, #tpu.memory_space<hbm>>
      tpu.enqueue_dma source(%dma_start3A_38 : memref<128xi32, #tpu.memory_space<hbm>>) target(%arg7 : memref<128xi32, #tpu.memory_space<vmem>>) target_semaphore(%run_scoped3A : memref<!tpu.dma_semaphore, #tpu.memory_space<semaphore_mem>>)
      %dma_wait3A_39 = tpu.memref_slice %arg3[%add3A_4] : memref<8192xi32, #tpu.memory_space<hbm>> -> memref<128xi32, #tpu.memory_space<hbm>>
      %dma_wait3A_40 = tpu.memref_slice %arg3[%add3A_4] : memref<8192xi32, #tpu.memory_space<hbm>> -> memref<128xi32, #tpu.memory_space<hbm>>
      tpu.wait_dma2 semaphore(%run_scoped3A : memref<!tpu.dma_semaphore, #tpu.memory_space<semaphore_mem>>) src(%dma_wait3A_40 : memref<128xi32, #tpu.memory_space<hbm>>) dst(%arg7 : memref<128xi32, #tpu.memory_space<vmem>>)
      tpu.yield
    }) : () -> ()
    %dma_start3A_7 = arith.constant 0 : i32
    %dma_start3A_8 = arith.constant 0 : i32
    %dma_start3A_9 = tpu.memref_slice %arg2[%dma_start3A_7, %dma_start3A_8] : memref<8192x256xf32, #tpu.memory_space<hbm>> -> memref<8192x256xf32, #tpu.memory_space<hbm>>
    tpu.enqueue_indirect_dma source(%dma_start3A_9 : memref<8192x256xf32, #tpu.memory_space<hbm>>) target(%arg9 : memref<128x256xf32, #tpu.memory_space<vmem>>) offsets(%arg7 : memref<128xi32, #tpu.memory_space<vmem>>) semaphore(%arg12 : memref<!tpu.dma_semaphore, #tpu.memory_space<semaphore_mem>>)
    %rem3A = arith.constant 512 : i32
    %rem3A_10 = arith.remsi %mul3A_2, %rem3A : i32
    "tpu.region"() ({
      %run_scoped3A = tpu.sem_alloc : memref<!tpu.dma_semaphore, #tpu.memory_space<semaphore_mem>>
      %dma_start3A_37 = arith.constant 0 : i32
      %dma_start3A_38 = tpu.memref_slice %arg4[%rem3A_10, %dma_start3A_37] : memref<512x256xf32, #tpu.memory_space<hbm>> -> memref<128x256xf32, #tpu.memory_space<hbm>>
      %dma_start3A_39 = arith.constant 0 : i32
      %dma_start3A_40 = tpu.memref_slice %arg4[%rem3A_10, %dma_start3A_39] : memref<512x256xf32, #tpu.memory_space<hbm>> -> memref<128x256xf32, #tpu.memory_space<hbm>>
      tpu.enqueue_dma source(%dma_start3A_40 : memref<128x256xf32, #tpu.memory_space<hbm>>) target(%arg10 : memref<128x256xf32, #tpu.memory_space<vmem>>) target_semaphore(%run_scoped3A : memref<!tpu.dma_semaphore, #tpu.memory_space<semaphore_mem>>)
      %dma_wait3A_41 = arith.constant 0 : i32
      %dma_wait3A_42 = tpu.memref_slice %arg4[%rem3A_10, %dma_wait3A_41] : memref<512x256xf32, #tpu.memory_space<hbm>> -> memref<128x256xf32, #tpu.memory_space<hbm>>
      %dma_wait3A_43 = arith.constant 0 : i32
      %dma_wait3A_44 = tpu.memref_slice %arg4[%rem3A_10, %dma_wait3A_43] : memref<512x256xf32, #tpu.memory_space<hbm>> -> memref<128x256xf32, #tpu.memory_space<hbm>>
      tpu.wait_dma2 semaphore(%run_scoped3A : memref<!tpu.dma_semaphore, #tpu.memory_space<semaphore_mem>>) src(%dma_wait3A_44 : memref<128x256xf32, #tpu.memory_space<hbm>>) dst(%arg10 : memref<128x256xf32, #tpu.memory_space<vmem>>)
      tpu.yield
    }) : () -> ()
    %dma_wait3A = arith.constant 0 : i32
    %dma_wait3A_11 = arith.constant 0 : i32
    %dma_wait3A_12 = tpu.memref_slice %arg2[%dma_wait3A, %dma_wait3A_11] : memref<8192x256xf32, #tpu.memory_space<hbm>> -> memref<8192x256xf32, #tpu.memory_space<hbm>>
    tpu.wait_indirect_dma semaphore(%arg11 : memref<!tpu.dma_semaphore, #tpu.memory_space<semaphore_mem>>) src(%dma_wait3A_12 : memref<8192x256xf32, #tpu.memory_space<hbm>>) dst(%arg8 : memref<128x256xf32, #tpu.memory_space<vmem>>)
    %scan3A = arith.constant 0 : i32
    %scan3A_13 = arith.constant 0 : i32
    %scan3A_14 = arith.constant 128 : i32
    %scan3A_15 = arith.addi %scan3A_13, %scan3A_14 : i32
    %scan3A_16 = arith.constant 1 : i32
    scf.for %scan3A_37 = %scan3A_13 to %scan3A_15 step %scan3A_16  : i32 {
      %get3A = arith.index_cast %scan3A_37 : i32 to index
      %get3A_38 = arith.constant 0 : index
      %get3A_39 = tpu.vector_load %arg10[%get3A, %get3A_38] {strides = array<i32>} : memref<128x256xf32, #tpu.memory_space<vmem>>, vector<1x16xf32>,
      %get3A_40 = vector.shape_cast %get3A_39 : vector<1x16xf32> to vector<16xf32>
      %swap3A = arith.index_cast %scan3A_37 : i32 to index
      %swap3A_41 = arith.constant 0 : index
      %swap3A_42 = tpu.vector_load %arg8[%swap3A, %swap3A_41] {strides = array<i32>} : memref<128x256xf32, #tpu.memory_space<vmem>>, vector<1x16xf32>,
      %swap3A_43 = vector.shape_cast %swap3A_42 : vector<1x16xf32> to vector<16xf32>
      %swap3A_44 = vector.shape_cast %get3A_40 : vector<16xf32> to vector<1x16xf32>
      tpu.vector_store %arg8[%swap3A, %swap3A_41], %swap3A_44 {add = true, strides = array<i32>} : memref<128x256xf32, #tpu.memory_space<vmem>>, vector<1x16xf32>,
      %get3A_45 = arith.index_cast %scan3A_37 : i32 to index
      %get3A_46 = arith.constant 16 : index
      %get3A_47 = tpu.vector_load %arg10[%get3A_45, %get3A_46] {strides = array<i32>} : memref<128x256xf32, #tpu.memory_space<vmem>>, vector<1x16xf32>,
      %get3A_48 = vector.shape_cast %get3A_47 : vector<1x16xf32> to vector<16xf32>
      %swap3A_49 = arith.index_cast %scan3A_37 : i32 to index
      %swap3A_50 = arith.constant 16 : index
      %swap3A_51 = tpu.vector_load %arg8[%swap3A_49, %swap3A_50] {strides = array<i32>} : memref<128x256xf32, #tpu.memory_space<vmem>>, vector<1x16xf32>,
      %swap3A_52 = vector.shape_cast %swap3A_51 : vector<1x16xf32> to vector<16xf32>
      %swap3A_53 = vector.shape_cast %get3A_48 : vector<16xf32> to vector<1x16xf32>
      tpu.vector_store %arg8[%swap3A_49, %swap3A_50], %swap3A_53 {add = true, strides = array<i32>} : memref<128x256xf32, #tpu.memory_space<vmem>>, vector<1x16xf32>,
      %get3A_54 = arith.index_cast %scan3A_37 : i32 to index
      %get3A_55 = arith.constant 32 : index
      %get3A_56 = tpu.vector_load %arg10[%get3A_54, %get3A_55] {strides = array<i32>} : memref<128x256xf32, #tpu.memory_space<vmem>>, vector<1x16xf32>,
      %get3A_57 = vector.shape_cast %get3A_56 : vector<1x16xf32> to vector<16xf32>
      %swap3A_58 = arith.index_cast %scan3A_37 : i32 to index
      %swap3A_59 = arith.constant 32 : index
      %swap3A_60 = tpu.vector_load %arg8[%swap3A_58, %swap3A_59] {strides = array<i32>} : memref<128x256xf32, #tpu.memory_space<vmem>>, vector<1x16xf32>,
      %swap3A_61 = vector.shape_cast %swap3A_60 : vector<1x16xf32> to vector<16xf32>
      %swap3A_62 = vector.shape_cast %get3A_57 : vector<16xf32> to vector<1x16xf32>
      tpu.vector_store %arg8[%swap3A_58, %swap3A_59], %swap3A_62 {add = true, strides = array<i32>} : memref<128x256xf32, #tpu.memory_space<vmem>>, vector<1x16xf32>,
      %get3A_63 = arith.index_cast %scan3A_37 : i32 to index
      %get3A_64 = arith.constant 48 : index
      %get3A_65 = tpu.vector_load %arg10[%get3A_63, %get3A_64] {strides = array<i32>} : memref<128x256xf32, #tpu.memory_space<vmem>>, vector<1x16xf32>,
      %get3A_66 = vector.shape_cast %get3A_65 : vector<1x16xf32> to vector<16xf32>
      %swap3A_67 = arith.index_cast %scan3A_37 : i32 to index
      %swap3A_68 = arith.constant 48 : index
      %swap3A_69 = tpu.vector_load %arg8[%swap3A_67, %swap3A_68] {strides = array<i32>} : memref<128x256xf32, #tpu.memory_space<vmem>>, vector<1x16xf32>,
      %swap3A_70 = vector.shape_cast %swap3A_69 : vector<1x16xf32> to vector<16xf32>
      %swap3A_71 = vector.shape_cast %get3A_66 : vector<16xf32> to vector<1x16xf32>
      tpu.vector_store %arg8[%swap3A_67, %swap3A_68], %swap3A_71 {add = true, strides = array<i32>} : memref<128x256xf32, #tpu.memory_space<vmem>>, vector<1x16xf32>,
      %get3A_72 = arith.index_cast %scan3A_37 : i32 to index
      %get3A_73 = arith.constant 64 : index
      %get3A_74 = tpu.vector_load %arg10[%get3A_72, %get3A_73] {strides = array<i32>} : memref<128x256xf32, #tpu.memory_space<vmem>>, vector<1x16xf32>,
      %get3A_75 = vector.shape_cast %get3A_74 : vector<1x16xf32> to vector<16xf32>
      %swap3A_76 = arith.index_cast %scan3A_37 : i32 to index
      %swap3A_77 = arith.constant 64 : index
      %swap3A_78 = tpu.vector_load %arg8[%swap3A_76, %swap3A_77] {strides = array<i32>} : memref<128x256xf32, #tpu.memory_space<vmem>>, vector<1x16xf32>,
      %swap3A_79 = vector.shape_cast %swap3A_78 : vector<1x16xf32> to vector<16xf32>
      %swap3A_80 = vector.shape_cast %get3A_75 : vector<16xf32> to vector<1x16xf32>
      tpu.vector_store %arg8[%swap3A_76, %swap3A_77], %swap3A_80 {add = true, strides = array<i32>} : memref<128x256xf32, #tpu.memory_space<vmem>>, vector<1x16xf32>,
      %get3A_81 = arith.index_cast %scan3A_37 : i32 to index
      %get3A_82 = arith.constant 80 : index
      %get3A_83 = tpu.vector_load %arg10[%get3A_81, %get3A_82] {strides = array<i32>} : memref<128x256xf32, #tpu.memory_space<vmem>>, vector<1x16xf32>,
      %get3A_84 = vector.shape_cast %get3A_83 : vector<1x16xf32> to vector<16xf32>
      %swap3A_85 = arith.index_cast %scan3A_37 : i32 to index
      %swap3A_86 = arith.constant 80 : index
      %swap3A_87 = tpu.vector_load %arg8[%swap3A_85, %swap3A_86] {strides = array<i32>} : memref<128x256xf32, #tpu.memory_space<vmem>>, vector<1x16xf32>,
      %swap3A_88 = vector.shape_cast %swap3A_87 : vector<1x16xf32> to vector<16xf32>
      %swap3A_89 = vector.shape_cast %get3A_84 : vector<16xf32> to vector<1x16xf32>
      tpu.vector_store %arg8[%swap3A_85, %swap3A_86], %swap3A_89 {add = true, strides = array<i32>} : memref<128x256xf32, #tpu.memory_space<vmem>>, vector<1x16xf32>,
      %get3A_90 = arith.index_cast %scan3A_37 : i32 to index
      %get3A_91 = arith.constant 96 : index
      %get3A_92 = tpu.vector_load %arg10[%get3A_90, %get3A_91] {strides = array<i32>} : memref<128x256xf32, #tpu.memory_space<vmem>>, vector<1x16xf32>,
      %get3A_93 = vector.shape_cast %get3A_92 : vector<1x16xf32> to vector<16xf32>
      %swap3A_94 = arith.index_cast %scan3A_37 : i32 to index
      %swap3A_95 = arith.constant 96 : index
      %swap3A_96 = tpu.vector_load %arg8[%swap3A_94, %swap3A_95] {strides = array<i32>} : memref<128x256xf32, #tpu.memory_space<vmem>>, vector<1x16xf32>,
      %swap3A_97 = vector.shape_cast %swap3A_96 : vector<1x16xf32> to vector<16xf32>
      %swap3A_98 = vector.shape_cast %get3A_93 : vector<16xf32> to vector<1x16xf32>
      tpu.vector_store %arg8[%swap3A_94, %swap3A_95], %swap3A_98 {add = true, strides = array<i32>} : memref<128x256xf32, #tpu.memory_space<vmem>>, vector<1x16xf32>,
      %get3A_99 = arith.index_cast %scan3A_37 : i32 to index
      %get3A_100 = arith.constant 112 : index
      %get3A_101 = tpu.vector_load %arg10[%get3A_99, %get3A_100] {strides = array<i32>} : memref<128x256xf32, #tpu.memory_space<vmem>>, vector<1x16xf32>,
      %get3A_102 = vector.shape_cast %get3A_101 : vector<1x16xf32> to vector<16xf32>
      %swap3A_103 = arith.index_cast %scan3A_37 : i32 to index
      %swap3A_104 = arith.constant 112 : index
      %swap3A_105 = tpu.vector_load %arg8[%swap3A_103, %swap3A_104] {strides = array<i32>} : memref<128x256xf32, #tpu.memory_space<vmem>>, vector<1x16xf32>,
      %swap3A_106 = vector.shape_cast %swap3A_105 : vector<1x16xf32> to vector<16xf32>
      %swap3A_107 = vector.shape_cast %get3A_102 : vector<16xf32> to vector<1x16xf32>
      tpu.vector_store %arg8[%swap3A_103, %swap3A_104], %swap3A_107 {add = true, strides = array<i32>} : memref<128x256xf32, #tpu.memory_space<vmem>>, vector<1x16xf32>,
      %get3A_108 = arith.index_cast %scan3A_37 : i32 to index
      %get3A_109 = arith.constant 128 : index
      %get3A_110 = tpu.vector_load %arg10[%get3A_108, %get3A_109] {strides = array<i32>} : memref<128x256xf32, #tpu.memory_space<vmem>>, vector<1x16xf32>,
      %get3A_111 = vector.shape_cast %get3A_110 : vector<1x16xf32> to vector<16xf32>
      %swap3A_112 = arith.index_cast %scan3A_37 : i32 to index
      %swap3A_113 = arith.constant 128 : index
      %swap3A_114 = tpu.vector_load %arg8[%swap3A_112, %swap3A_113] {strides = array<i32>} : memref<128x256xf32, #tpu.memory_space<vmem>>, vector<1x16xf32>,
      %swap3A_115 = vector.shape_cast %swap3A_114 : vector<1x16xf32> to vector<16xf32>
      %swap3A_116 = vector.shape_cast %get3A_111 : vector<16xf32> to vector<1x16xf32>
      tpu.vector_store %arg8[%swap3A_112, %swap3A_113], %swap3A_116 {add = true, strides = array<i32>} : memref<128x256xf32, #tpu.memory_space<vmem>>, vector<1x16xf32>,
      %get3A_117 = arith.index_cast %scan3A_37 : i32 to index
      %get3A_118 = arith.constant 144 : index
      %get3A_119 = tpu.vector_load %arg10[%get3A_117, %get3A_118] {strides = array<i32>} : memref<128x256xf32, #tpu.memory_space<vmem>>, vector<1x16xf32>,
      %get3A_120 = vector.shape_cast %get3A_119 : vector<1x16xf32> to vector<16xf32>
      %swap3A_121 = arith.index_cast %scan3A_37 : i32 to index
      %swap3A_122 = arith.constant 144 : index
      %swap3A_123 = tpu.vector_load %arg8[%swap3A_121, %swap3A_122] {strides = array<i32>} : memref<128x256xf32, #tpu.memory_space<vmem>>, vector<1x16xf32>,
      %swap3A_124 = vector.shape_cast %swap3A_123 : vector<1x16xf32> to vector<16xf32>
      %swap3A_125 = vector.shape_cast %get3A_120 : vector<16xf32> to vector<1x16xf32>
      tpu.vector_store %arg8[%swap3A_121, %swap3A_122], %swap3A_125 {add = true, strides = array<i32>} : memref<128x256xf32, #tpu.memory_space<vmem>>, vector<1x16xf32>,
      %get3A_126 = arith.index_cast %scan3A_37 : i32 to index
      %get3A_127 = arith.constant 160 : index
      %get3A_128 = tpu.vector_load %arg10[%get3A_126, %get3A_127] {strides = array<i32>} : memref<128x256xf32, #tpu.memory_space<vmem>>, vector<1x16xf32>,
      %get3A_129 = vector.shape_cast %get3A_128 : vector<1x16xf32> to vector<16xf32>
      %swap3A_130 = arith.index_cast %scan3A_37 : i32 to index
      %swap3A_131 = arith.constant 160 : index
      %swap3A_132 = tpu.vector_load %arg8[%swap3A_130, %swap3A_131] {strides = array<i32>} : memref<128x256xf32, #tpu.memory_space<vmem>>, vector<1x16xf32>,
      %swap3A_133 = vector.shape_cast %swap3A_132 : vector<1x16xf32> to vector<16xf32>
      %swap3A_134 = vector.shape_cast %get3A_129 : vector<16xf32> to vector<1x16xf32>
      tpu.vector_store %arg8[%swap3A_130, %swap3A_131], %swap3A_134 {add = true, strides = array<i32>} : memref<128x256xf32, #tpu.memory_space<vmem>>, vector<1x16xf32>,
      %get3A_135 = arith.index_cast %scan3A_37 : i32 to index
      %get3A_136 = arith.constant 176 : index
      %get3A_137 = tpu.vector_load %arg10[%get3A_135, %get3A_136] {strides = array<i32>} : memref<128x256xf32, #tpu.memory_space<vmem>>, vector<1x16xf32>,
      %get3A_138 = vector.shape_cast %get3A_137 : vector<1x16xf32> to vector<16xf32>
      %swap3A_139 = arith.index_cast %scan3A_37 : i32 to index
      %swap3A_140 = arith.constant 176 : index
      %swap3A_141 = tpu.vector_load %arg8[%swap3A_139, %swap3A_140] {strides = array<i32>} : memref<128x256xf32, #tpu.memory_space<vmem>>, vector<1x16xf32>,
      %swap3A_142 = vector.shape_cast %swap3A_141 : vector<1x16xf32> to vector<16xf32>
      %swap3A_143 = vector.shape_cast %get3A_138 : vector<16xf32> to vector<1x16xf32>
      tpu.vector_store %arg8[%swap3A_139, %swap3A_140], %swap3A_143 {add = true, strides = array<i32>} : memref<128x256xf32, #tpu.memory_space<vmem>>, vector<1x16xf32>,
      %get3A_144 = arith.index_cast %scan3A_37 : i32 to index
      %get3A_145 = arith.constant 192 : index
      %get3A_146 = tpu.vector_load %arg10[%get3A_144, %get3A_145] {strides = array<i32>} : memref<128x256xf32, #tpu.memory_space<vmem>>, vector<1x16xf32>,
      %get3A_147 = vector.shape_cast %get3A_146 : vector<1x16xf32> to vector<16xf32>
      %swap3A_148 = arith.index_cast %scan3A_37 : i32 to index
      %swap3A_149 = arith.constant 192 : index
      %swap3A_150 = tpu.vector_load %arg8[%swap3A_148, %swap3A_149] {strides = array<i32>} : memref<128x256xf32, #tpu.memory_space<vmem>>, vector<1x16xf32>,
      %swap3A_151 = vector.shape_cast %swap3A_150 : vector<1x16xf32> to vector<16xf32>
      %swap3A_152 = vector.shape_cast %get3A_147 : vector<16xf32> to vector<1x16xf32>
      tpu.vector_store %arg8[%swap3A_148, %swap3A_149], %swap3A_152 {add = true, strides = array<i32>} : memref<128x256xf32, #tpu.memory_space<vmem>>, vector<1x16xf32>,
      %get3A_153 = arith.index_cast %scan3A_37 : i32 to index
      %get3A_154 = arith.constant 208 : index
      %get3A_155 = tpu.vector_load %arg10[%get3A_153, %get3A_154] {strides = array<i32>} : memref<128x256xf32, #tpu.memory_space<vmem>>, vector<1x16xf32>,
      %get3A_156 = vector.shape_cast %get3A_155 : vector<1x16xf32> to vector<16xf32>
      %swap3A_157 = arith.index_cast %scan3A_37 : i32 to index
      %swap3A_158 = arith.constant 208 : index
      %swap3A_159 = tpu.vector_load %arg8[%swap3A_157, %swap3A_158] {strides = array<i32>} : memref<128x256xf32, #tpu.memory_space<vmem>>, vector<1x16xf32>,
      %swap3A_160 = vector.shape_cast %swap3A_159 : vector<1x16xf32> to vector<16xf32>
      %swap3A_161 = vector.shape_cast %get3A_156 : vector<16xf32> to vector<1x16xf32>
      tpu.vector_store %arg8[%swap3A_157, %swap3A_158], %swap3A_161 {add = true, strides = array<i32>} : memref<128x256xf32, #tpu.memory_space<vmem>>, vector<1x16xf32>,
      %get3A_162 = arith.index_cast %scan3A_37 : i32 to index
      %get3A_163 = arith.constant 224 : index
      %get3A_164 = tpu.vector_load %arg10[%get3A_162, %get3A_163] {strides = array<i32>} : memref<128x256xf32, #tpu.memory_space<vmem>>, vector<1x16xf32>,
      %get3A_165 = vector.shape_cast %get3A_164 : vector<1x16xf32> to vector<16xf32>
      %swap3A_166 = arith.index_cast %scan3A_37 : i32 to index
      %swap3A_167 = arith.constant 224 : index
      %swap3A_168 = tpu.vector_load %arg8[%swap3A_166, %swap3A_167] {strides = array<i32>} : memref<128x256xf32, #tpu.memory_space<vmem>>, vector<1x16xf32>,
      %swap3A_169 = vector.shape_cast %swap3A_168 : vector<1x16xf32> to vector<16xf32>
      %swap3A_170 = vector.shape_cast %get3A_165 : vector<16xf32> to vector<1x16xf32>
      tpu.vector_store %arg8[%swap3A_166, %swap3A_167], %swap3A_170 {add = true, strides = array<i32>} : memref<128x256xf32, #tpu.memory_space<vmem>>, vector<1x16xf32>,
      %get3A_171 = arith.index_cast %scan3A_37 : i32 to index
      %get3A_172 = arith.constant 240 : index
      %get3A_173 = tpu.vector_load %arg10[%get3A_171, %get3A_172] {strides = array<i32>} : memref<128x256xf32, #tpu.memory_space<vmem>>, vector<1x16xf32>,
      %get3A_174 = vector.shape_cast %get3A_173 : vector<1x16xf32> to vector<16xf32>
      %swap3A_175 = arith.index_cast %scan3A_37 : i32 to index
      %swap3A_176 = arith.constant 240 : index
      %swap3A_177 = tpu.vector_load %arg8[%swap3A_175, %swap3A_176] {strides = array<i32>} : memref<128x256xf32, #tpu.memory_space<vmem>>, vector<1x16xf32>,
      %swap3A_178 = vector.shape_cast %swap3A_177 : vector<1x16xf32> to vector<16xf32>
      %swap3A_179 = vector.shape_cast %get3A_174 : vector<16xf32> to vector<1x16xf32>
      tpu.vector_store %arg8[%swap3A_175, %swap3A_176], %swap3A_179 {add = true, strides = array<i32>} : memref<128x256xf32, #tpu.memory_space<vmem>>, vector<1x16xf32>,
    }
    %scan3A_17 = arith.constant 128 : i32
    %dma_start3A_18 = arith.constant 0 : i32
    %dma_start3A_19 = tpu.memref_slice %arg5[%mul3A_2, %dma_start3A_18] : memref<8192x256xf32, #tpu.memory_space<hbm>> -> memref<128x256xf32, #tpu.memory_space<hbm>>
    %dma_start3A_20 = arith.constant 0 : i32
    %dma_start3A_21 = tpu.memref_slice %arg5[%mul3A_2, %dma_start3A_20] : memref<8192x256xf32, #tpu.memory_space<hbm>> -> memref<128x256xf32, #tpu.memory_space<hbm>>
    tpu.enqueue_dma source(%arg8 : memref<128x256xf32, #tpu.memory_space<vmem>>) target(%dma_start3A_21 : memref<128x256xf32, #tpu.memory_space<hbm>>) target_semaphore(%arg13 : memref<!tpu.dma_semaphore, #tpu.memory_space<semaphore_mem>>)
    %rem3A_22 = arith.constant 512 : i32
    %rem3A_23 = arith.remsi %add3A_4, %rem3A_22 : i32
    "tpu.region"() ({
      %run_scoped3A = tpu.sem_alloc : memref<!tpu.dma_semaphore, #tpu.memory_space<semaphore_mem>>
      %dma_start3A_37 = arith.constant 0 : i32
      %dma_start3A_38 = tpu.memref_slice %arg4[%rem3A_23, %dma_start3A_37] : memref<512x256xf32, #tpu.memory_space<hbm>> -> memref<128x256xf32, #tpu.memory_space<hbm>>
      %dma_start3A_39 = arith.constant 0 : i32
      %dma_start3A_40 = tpu.memref_slice %arg4[%rem3A_23, %dma_start3A_39] : memref<512x256xf32, #tpu.memory_space<hbm>> -> memref<128x256xf32, #tpu.memory_space<hbm>>
      tpu.enqueue_dma source(%dma_start3A_40 : memref<128x256xf32, #tpu.memory_space<hbm>>) target(%arg10 : memref<128x256xf32, #tpu.memory_space<vmem>>) target_semaphore(%run_scoped3A : memref<!tpu.dma_semaphore, #tpu.memory_space<semaphore_mem>>)
      %dma_wait3A_41 = arith.constant 0 : i32
      %dma_wait3A_42 = tpu.memref_slice %arg4[%rem3A_23, %dma_wait3A_41] : memref<512x256xf32, #tpu.memory_space<hbm>> -> memref<128x256xf32, #tpu.memory_space<hbm>>
      %dma_wait3A_43 = arith.constant 0 : i32
      %dma_wait3A_44 = tpu.memref_slice %arg4[%rem3A_23, %dma_wait3A_43] : memref<512x256xf32, #tpu.memory_space<hbm>> -> memref<128x256xf32, #tpu.memory_space<hbm>>
      tpu.wait_dma2 semaphore(%run_scoped3A : memref<!tpu.dma_semaphore, #tpu.memory_space<semaphore_mem>>) src(%dma_wait3A_44 : memref<128x256xf32, #tpu.memory_space<hbm>>) dst(%arg10 : memref<128x256xf32, #tpu.memory_space<vmem>>)
      tpu.yield
    }) : () -> ()
    %dma_wait3A_24 = arith.constant 0 : i32
    %dma_wait3A_25 = arith.constant 0 : i32
    %dma_wait3A_26 = tpu.memref_slice %arg2[%dma_wait3A_24, %dma_wait3A_25] : memref<8192x256xf32, #tpu.memory_space<hbm>> -> memref<8192x256xf32, #tpu.memory_space<hbm>>
    tpu.wait_indirect_dma semaphore(%arg12 : memref<!tpu.dma_semaphore, #tpu.memory_space<semaphore_mem>>) src(%dma_wait3A_26 : memref<8192x256xf32, #tpu.memory_space<hbm>>) dst(%arg9 : memref<128x256xf32, #tpu.memory_space<vmem>>)
    %scan3A_27 = arith.constant 0 : i32
    %scan3A_28 = arith.constant 0 : i32
    %scan3A_29 = arith.constant 128 : i32
    %scan3A_30 = arith.addi %scan3A_28, %scan3A_29 : i32
    %scan3A_31 = arith.constant 1 : i32
    scf.for %scan3A_37 = %scan3A_28 to %scan3A_30 step %scan3A_31  : i32 {
      %get3A = arith.index_cast %scan3A_37 : i32 to index
      %get3A_38 = arith.constant 0 : index
      %get3A_39 = tpu.vector_load %arg10[%get3A, %get3A_38] {strides = array<i32>} : memref<128x256xf32, #tpu.memory_space<vmem>>, vector<1x16xf32>,
      %get3A_40 = vector.shape_cast %get3A_39 : vector<1x16xf32> to vector<16xf32>
      %swap3A = arith.index_cast %scan3A_37 : i32 to index
      %swap3A_41 = arith.constant 0 : index
      %swap3A_42 = tpu.vector_load %arg9[%swap3A, %swap3A_41] {strides = array<i32>} : memref<128x256xf32, #tpu.memory_space<vmem>>, vector<1x16xf32>,
      %swap3A_43 = vector.shape_cast %swap3A_42 : vector<1x16xf32> to vector<16xf32>
      %swap3A_44 = vector.shape_cast %get3A_40 : vector<16xf32> to vector<1x16xf32>
      tpu.vector_store %arg9[%swap3A, %swap3A_41], %swap3A_44 {add = true, strides = array<i32>} : memref<128x256xf32, #tpu.memory_space<vmem>>, vector<1x16xf32>,
      %get3A_45 = arith.index_cast %scan3A_37 : i32 to index
      %get3A_46 = arith.constant 16 : index
      %get3A_47 = tpu.vector_load %arg10[%get3A_45, %get3A_46] {strides = array<i32>} : memref<128x256xf32, #tpu.memory_space<vmem>>, vector<1x16xf32>,
      %get3A_48 = vector.shape_cast %get3A_47 : vector<1x16xf32> to vector<16xf32>
      %swap3A_49 = arith.index_cast %scan3A_37 : i32 to index
      %swap3A_50 = arith.constant 16 : index
      %swap3A_51 = tpu.vector_load %arg9[%swap3A_49, %swap3A_50] {strides = array<i32>} : memref<128x256xf32, #tpu.memory_space<vmem>>, vector<1x16xf32>,
      %swap3A_52 = vector.shape_cast %swap3A_51 : vector<1x16xf32> to vector<16xf32>
      %swap3A_53 = vector.shape_cast %get3A_48 : vector<16xf32> to vector<1x16xf32>
      tpu.vector_store %arg9[%swap3A_49, %swap3A_50], %swap3A_53 {add = true, strides = array<i32>} : memref<128x256xf32, #tpu.memory_space<vmem>>, vector<1x16xf32>,
      %get3A_54 = arith.index_cast %scan3A_37 : i32 to index
      %get3A_55 = arith.constant 32 : index
      %get3A_56 = tpu.vector_load %arg10[%get3A_54, %get3A_55] {strides = array<i32>} : memref<128x256xf32, #tpu.memory_space<vmem>>, vector<1x16xf32>,
      %get3A_57 = vector.shape_cast %get3A_56 : vector<1x16xf32> to vector<16xf32>
      %swap3A_58 = arith.index_cast %scan3A_37 : i32 to index
      %swap3A_59 = arith.constant 32 : index
      %swap3A_60 = tpu.vector_load %arg9[%swap3A_58, %swap3A_59] {strides = array<i32>} : memref<128x256xf32, #tpu.memory_space<vmem>>, vector<1x16xf32>,
      %swap3A_61 = vector.shape_cast %swap3A_60 : vector<1x16xf32> to vector<16xf32>
      %swap3A_62 = vector.shape_cast %get3A_57 : vector<16xf32> to vector<1x16xf32>
      tpu.vector_store %arg9[%swap3A_58, %swap3A_59], %swap3A_62 {add = true, strides = array<i32>} : memref<128x256xf32, #tpu.memory_space<vmem>>, vector<1x16xf32>,
      %get3A_63 = arith.index_cast %scan3A_37 : i32 to index
      %get3A_64 = arith.constant 48 : index
      %get3A_65 = tpu.vector_load %arg10[%get3A_63, %get3A_64] {strides = array<i32>} : memref<128x256xf32, #tpu.memory_space<vmem>>, vector<1x16xf32>,
      %get3A_66 = vector.shape_cast %get3A_65 : vector<1x16xf32> to vector<16xf32>
      %swap3A_67 = arith.index_cast %scan3A_37 : i32 to index
      %swap3A_68 = arith.constant 48 : index
      %swap3A_69 = tpu.vector_load %arg9[%swap3A_67, %swap3A_68] {strides = array<i32>} : memref<128x256xf32, #tpu.memory_space<vmem>>, vector<1x16xf32>,
      %swap3A_70 = vector.shape_cast %swap3A_69 : vector<1x16xf32> to vector<16xf32>
      %swap3A_71 = vector.shape_cast %get3A_66 : vector<16xf32> to vector<1x16xf32>
      tpu.vector_store %arg9[%swap3A_67, %swap3A_68], %swap3A_71 {add = true, strides = array<i32>} : memref<128x256xf32, #tpu.memory_space<vmem>>, vector<1x16xf32>,
      %get3A_72 = arith.index_cast %scan3A_37 : i32 to index
      %get3A_73 = arith.constant 64 : index
      %get3A_74 = tpu.vector_load %arg10[%get3A_72, %get3A_73] {strides = array<i32>} : memref<128x256xf32, #tpu.memory_space<vmem>>, vector<1x16xf32>,
      %get3A_75 = vector.shape_cast %get3A_74 : vector<1x16xf32> to vector<16xf32>
      %swap3A_76 = arith.index_cast %scan3A_37 : i32 to index
      %swap3A_77 = arith.constant 64 : index
      %swap3A_78 = tpu.vector_load %arg9[%swap3A_76, %swap3A_77] {strides = array<i32>} : memref<128x256xf32, #tpu.memory_space<vmem>>, vector<1x16xf32>,
      %swap3A_79 = vector.shape_cast %swap3A_78 : vector<1x16xf32> to vector<16xf32>
      %swap3A_80 = vector.shape_cast %get3A_75 : vector<16xf32> to vector<1x16xf32>
      tpu.vector_store %arg9[%swap3A_76, %swap3A_77], %swap3A_80 {add = true, strides = array<i32>} : memref<128x256xf32, #tpu.memory_space<vmem>>, vector<1x16xf32>,
      %get3A_81 = arith.index_cast %scan3A_37 : i32 to index
      %get3A_82 = arith.constant 80 : index
      %get3A_83 = tpu.vector_load %arg10[%get3A_81, %get3A_82] {strides = array<i32>} : memref<128x256xf32, #tpu.memory_space<vmem>>, vector<1x16xf32>,
      %get3A_84 = vector.shape_cast %get3A_83 : vector<1x16xf32> to vector<16xf32>
      %swap3A_85 = arith.index_cast %scan3A_37 : i32 to index
      %swap3A_86 = arith.constant 80 : index
      %swap3A_87 = tpu.vector_load %arg9[%swap3A_85, %swap3A_86] {strides = array<i32>} : memref<128x256xf32, #tpu.memory_space<vmem>>, vector<1x16xf32>,
      %swap3A_88 = vector.shape_cast %swap3A_87 : vector<1x16xf32> to vector<16xf32>
      %swap3A_89 = vector.shape_cast %get3A_84 : vector<16xf32> to vector<1x16xf32>
      tpu.vector_store %arg9[%swap3A_85, %swap3A_86], %swap3A_89 {add = true, strides = array<i32>} : memref<128x256xf32, #tpu.memory_space<vmem>>, vector<1x16xf32>,
      %get3A_90 = arith.index_cast %scan3A_37 : i32 to index
      %get3A_91 = arith.constant 96 : index
      %get3A_92 = tpu.vector_load %arg10[%get3A_90, %get3A_91] {strides = array<i32>} : memref<128x256xf32, #tpu.memory_space<vmem>>, vector<1x16xf32>,
      %get3A_93 = vector.shape_cast %get3A_92 : vector<1x16xf32> to vector<16xf32>
      %swap3A_94 = arith.index_cast %scan3A_37 : i32 to index
      %swap3A_95 = arith.constant 96 : index
      %swap3A_96 = tpu.vector_load %arg9[%swap3A_94, %swap3A_95] {strides = array<i32>} : memref<128x256xf32, #tpu.memory_space<vmem>>, vector<1x16xf32>,
      %swap3A_97 = vector.shape_cast %swap3A_96 : vector<1x16xf32> to vector<16xf32>
      %swap3A_98 = vector.shape_cast %get3A_93 : vector<16xf32> to vector<1x16xf32>
      tpu.vector_store %arg9[%swap3A_94, %swap3A_95], %swap3A_98 {add = true, strides = array<i32>} : memref<128x256xf32, #tpu.memory_space<vmem>>, vector<1x16xf32>,
      %get3A_99 = arith.index_cast %scan3A_37 : i32 to index
      %get3A_100 = arith.constant 112 : index
      %get3A_101 = tpu.vector_load %arg10[%get3A_99, %get3A_100] {strides = array<i32>} : memref<128x256xf32, #tpu.memory_space<vmem>>, vector<1x16xf32>,
      %get3A_102 = vector.shape_cast %get3A_101 : vector<1x16xf32> to vector<16xf32>
      %swap3A_103 = arith.index_cast %scan3A_37 : i32 to index
      %swap3A_104 = arith.constant 112 : index
      %swap3A_105 = tpu.vector_load %arg9[%swap3A_103, %swap3A_104] {strides = array<i32>} : memref<128x256xf32, #tpu.memory_space<vmem>>, vector<1x16xf32>,
      %swap3A_106 = vector.shape_cast %swap3A_105 : vector<1x16xf32> to vector<16xf32>
      %swap3A_107 = vector.shape_cast %get3A_102 : vector<16xf32> to vector<1x16xf32>
      tpu.vector_store %arg9[%swap3A_103, %swap3A_104], %swap3A_107 {add = true, strides = array<i32>} : memref<128x256xf32, #tpu.memory_space<vmem>>, vector<1x16xf32>,
      %get3A_108 = arith.index_cast %scan3A_37 : i32 to index
      %get3A_109 = arith.constant 128 : index
      %get3A_110 = tpu.vector_load %arg10[%get3A_108, %get3A_109] {strides = array<i32>} : memref<128x256xf32, #tpu.memory_space<vmem>>, vector<1x16xf32>,
      %get3A_111 = vector.shape_cast %get3A_110 : vector<1x16xf32> to vector<16xf32>
      %swap3A_112 = arith.index_cast %scan3A_37 : i32 to index
      %swap3A_113 = arith.constant 128 : index
      %swap3A_114 = tpu.vector_load %arg9[%swap3A_112, %swap3A_113] {strides = array<i32>} : memref<128x256xf32, #tpu.memory_space<vmem>>, vector<1x16xf32>,
      %swap3A_115 = vector.shape_cast %swap3A_114 : vector<1x16xf32> to vector<16xf32>
      %swap3A_116 = vector.shape_cast %get3A_111 : vector<16xf32> to vector<1x16xf32>
      tpu.vector_store %arg9[%swap3A_112, %swap3A_113], %swap3A_116 {add = true, strides = array<i32>} : memref<128x256xf32, #tpu.memory_space<vmem>>, vector<1x16xf32>,
      %get3A_117 = arith.index_cast %scan3A_37 : i32 to index
      %get3A_118 = arith.constant 144 : index
      %get3A_119 = tpu.vector_load %arg10[%get3A_117, %get3A_118] {strides = array<i32>} : memref<128x256xf32, #tpu.memory_space<vmem>>, vector<1x16xf32>,
      %get3A_120 = vector.shape_cast %get3A_119 : vector<1x16xf32> to vector<16xf32>
      %swap3A_121 = arith.index_cast %scan3A_37 : i32 to index
      %swap3A_122 = arith.constant 144 : index
      %swap3A_123 = tpu.vector_load %arg9[%swap3A_121, %swap3A_122] {strides = array<i32>} : memref<128x256xf32, #tpu.memory_space<vmem>>, vector<1x16xf32>,
      %swap3A_124 = vector.shape_cast %swap3A_123 : vector<1x16xf32> to vector<16xf32>
      %swap3A_125 = vector.shape_cast %get3A_120 : vector<16xf32> to vector<1x16xf32>
      tpu.vector_store %arg9[%swap3A_121, %swap3A_122], %swap3A_125 {add = true, strides = array<i32>} : memref<128x256xf32, #tpu.memory_space<vmem>>, vector<1x16xf32>,
      %get3A_126 = arith.index_cast %scan3A_37 : i32 to index
      %get3A_127 = arith.constant 160 : index
      %get3A_128 = tpu.vector_load %arg10[%get3A_126, %get3A_127] {strides = array<i32>} : memref<128x256xf32, #tpu.memory_space<vmem>>, vector<1x16xf32>,
      %get3A_129 = vector.shape_cast %get3A_128 : vector<1x16xf32> to vector<16xf32>
      %swap3A_130 = arith.index_cast %scan3A_37 : i32 to index
      %swap3A_131 = arith.constant 160 : index
      %swap3A_132 = tpu.vector_load %arg9[%swap3A_130, %swap3A_131] {strides = array<i32>} : memref<128x256xf32, #tpu.memory_space<vmem>>, vector<1x16xf32>,
      %swap3A_133 = vector.shape_cast %swap3A_132 : vector<1x16xf32> to vector<16xf32>
      %swap3A_134 = vector.shape_cast %get3A_129 : vector<16xf32> to vector<1x16xf32>
      tpu.vector_store %arg9[%swap3A_130, %swap3A_131], %swap3A_134 {add = true, strides = array<i32>} : memref<128x256xf32, #tpu.memory_space<vmem>>, vector<1x16xf32>,
      %get3A_135 = arith.index_cast %scan3A_37 : i32 to index
      %get3A_136 = arith.constant 176 : index
      %get3A_137 = tpu.vector_load %arg10[%get3A_135, %get3A_136] {strides = array<i32>} : memref<128x256xf32, #tpu.memory_space<vmem>>, vector<1x16xf32>,
      %get3A_138 = vector.shape_cast %get3A_137 : vector<1x16xf32> to vector<16xf32>
      %swap3A_139 = arith.index_cast %scan3A_37 : i32 to index
      %swap3A_140 = arith.constant 176 : index
      %swap3A_141 = tpu.vector_load %arg9[%swap3A_139, %swap3A_140] {strides = array<i32>} : memref<128x256xf32, #tpu.memory_space<vmem>>, vector<1x16xf32>,
      %swap3A_142 = vector.shape_cast %swap3A_141 : vector<1x16xf32> to vector<16xf32>
      %swap3A_143 = vector.shape_cast %get3A_138 : vector<16xf32> to vector<1x16xf32>
      tpu.vector_store %arg9[%swap3A_139, %swap3A_140], %swap3A_143 {add = true, strides = array<i32>} : memref<128x256xf32, #tpu.memory_space<vmem>>, vector<1x16xf32>,
      %get3A_144 = arith.index_cast %scan3A_37 : i32 to index
      %get3A_145 = arith.constant 192 : index
      %get3A_146 = tpu.vector_load %arg10[%get3A_144, %get3A_145] {strides = array<i32>} : memref<128x256xf32, #tpu.memory_space<vmem>>, vector<1x16xf32>,
      %get3A_147 = vector.shape_cast %get3A_146 : vector<1x16xf32> to vector<16xf32>
      %swap3A_148 = arith.index_cast %scan3A_37 : i32 to index
      %swap3A_149 = arith.constant 192 : index
      %swap3A_150 = tpu.vector_load %arg9[%swap3A_148, %swap3A_149] {strides = array<i32>} : memref<128x256xf32, #tpu.memory_space<vmem>>, vector<1x16xf32>,
      %swap3A_151 = vector.shape_cast %swap3A_150 : vector<1x16xf32> to vector<16xf32>
      %swap3A_152 = vector.shape_cast %get3A_147 : vector<16xf32> to vector<1x16xf32>
      tpu.vector_store %arg9[%swap3A_148, %swap3A_149], %swap3A_152 {add = true, strides = array<i32>} : memref<128x256xf32, #tpu.memory_space<vmem>>, vector<1x16xf32>,
      %get3A_153 = arith.index_cast %scan3A_37 : i32 to index
      %get3A_154 = arith.constant 208 : index
      %get3A_155 = tpu.vector_load %arg10[%get3A_153, %get3A_154] {strides = array<i32>} : memref<128x256xf32, #tpu.memory_space<vmem>>, vector<1x16xf32>,
      %get3A_156 = vector.shape_cast %get3A_155 : vector<1x16xf32> to vector<16xf32>
      %swap3A_157 = arith.index_cast %scan3A_37 : i32 to index
      %swap3A_158 = arith.constant 208 : index
      %swap3A_159 = tpu.vector_load %arg9[%swap3A_157, %swap3A_158] {strides = array<i32>} : memref<128x256xf32, #tpu.memory_space<vmem>>, vector<1x16xf32>,
      %swap3A_160 = vector.shape_cast %swap3A_159 : vector<1x16xf32> to vector<16xf32>
      %swap3A_161 = vector.shape_cast %get3A_156 : vector<16xf32> to vector<1x16xf32>
      tpu.vector_store %arg9[%swap3A_157, %swap3A_158], %swap3A_161 {add = true, strides = array<i32>} : memref<128x256xf32, #tpu.memory_space<vmem>>, vector<1x16xf32>,
      %get3A_162 = arith.index_cast %scan3A_37 : i32 to index
      %get3A_163 = arith.constant 224 : index
      %get3A_164 = tpu.vector_load %arg10[%get3A_162, %get3A_163] {strides = array<i32>} : memref<128x256xf32, #tpu.memory_space<vmem>>, vector<1x16xf32>,
      %get3A_165 = vector.shape_cast %get3A_164 : vector<1x16xf32> to vector<16xf32>
      %swap3A_166 = arith.index_cast %scan3A_37 : i32 to index
      %swap3A_167 = arith.constant 224 : index
      %swap3A_168 = tpu.vector_load %arg9[%swap3A_166, %swap3A_167] {strides = array<i32>} : memref<128x256xf32, #tpu.memory_space<vmem>>, vector<1x16xf32>,
      %swap3A_169 = vector.shape_cast %swap3A_168 : vector<1x16xf32> to vector<16xf32>
      %swap3A_170 = vector.shape_cast %get3A_165 : vector<16xf32> to vector<1x16xf32>
      tpu.vector_store %arg9[%swap3A_166, %swap3A_167], %swap3A_170 {add = true, strides = array<i32>} : memref<128x256xf32, #tpu.memory_space<vmem>>, vector<1x16xf32>,
      %get3A_171 = arith.index_cast %scan3A_37 : i32 to index
      %get3A_172 = arith.constant 240 : index
      %get3A_173 = tpu.vector_load %arg10[%get3A_171, %get3A_172] {strides = array<i32>} : memref<128x256xf32, #tpu.memory_space<vmem>>, vector<1x16xf32>,
      %get3A_174 = vector.shape_cast %get3A_173 : vector<1x16xf32> to vector<16xf32>
      %swap3A_175 = arith.index_cast %scan3A_37 : i32 to index
      %swap3A_176 = arith.constant 240 : index
      %swap3A_177 = tpu.vector_load %arg9[%swap3A_175, %swap3A_176] {strides = array<i32>} : memref<128x256xf32, #tpu.memory_space<vmem>>, vector<1x16xf32>,
      %swap3A_178 = vector.shape_cast %swap3A_177 : vector<1x16xf32> to vector<16xf32>
      %swap3A_179 = vector.shape_cast %get3A_174 : vector<16xf32> to vector<1x16xf32>
      tpu.vector_store %arg9[%swap3A_175, %swap3A_176], %swap3A_179 {add = true, strides = array<i32>} : memref<128x256xf32, #tpu.memory_space<vmem>>, vector<1x16xf32>,
    }
    %scan3A_32 = arith.constant 128 : i32
    "tpu.region"() ({
      %run_scoped3A = tpu.sem_alloc : memref<!tpu.dma_semaphore, #tpu.memory_space<semaphore_mem>>
      %dma_start3A_37 = arith.constant 0 : i32
      %dma_start3A_38 = tpu.memref_slice %arg5[%add3A_4, %dma_start3A_37] : memref<8192x256xf32, #tpu.memory_space<hbm>> -> memref<128x256xf32, #tpu.memory_space<hbm>>
      %dma_start3A_39 = arith.constant 0 : i32
      %dma_start3A_40 = tpu.memref_slice %arg5[%add3A_4, %dma_start3A_39] : memref<8192x256xf32, #tpu.memory_space<hbm>> -> memref<128x256xf32, #tpu.memory_space<hbm>>
      tpu.enqueue_dma source(%arg9 : memref<128x256xf32, #tpu.memory_space<vmem>>) target(%dma_start3A_40 : memref<128x256xf32, #tpu.memory_space<hbm>>) target_semaphore(%run_scoped3A : memref<!tpu.dma_semaphore, #tpu.memory_space<semaphore_mem>>)
      %dma_wait3A_41 = arith.constant 0 : i32
      %dma_wait3A_42 = tpu.memref_slice %arg5[%add3A_4, %dma_wait3A_41] : memref<8192x256xf32, #tpu.memory_space<hbm>> -> memref<128x256xf32, #tpu.memory_space<hbm>>
      %dma_wait3A_43 = arith.constant 0 : i32
      %dma_wait3A_44 = tpu.memref_slice %arg5[%add3A_4, %dma_wait3A_43] : memref<8192x256xf32, #tpu.memory_space<hbm>> -> memref<128x256xf32, #tpu.memory_space<hbm>>
      tpu.wait_dma2 semaphore(%run_scoped3A : memref<!tpu.dma_semaphore, #tpu.memory_space<semaphore_mem>>) src(%arg9 : memref<128x256xf32, #tpu.memory_space<vmem>>) dst(%dma_wait3A_44 : memref<128x256xf32, #tpu.memory_space<hbm>>)
      tpu.yield
    }) : () -> ()
    %dma_wait3A_33 = arith.constant 0 : i32
    %dma_wait3A_34 = tpu.memref_slice %arg5[%mul3A_2, %dma_wait3A_33] : memref<8192x256xf32, #tpu.memory_space<hbm>> -> memref<128x256xf32, #tpu.memory_space<hbm>>
    %dma_wait3A_35 = arith.constant 0 : i32
    %dma_wait3A_36 = tpu.memref_slice %arg5[%mul3A_2, %dma_wait3A_35] : memref<8192x256xf32, #tpu.memory_space<hbm>> -> memref<128x256xf32, #tpu.memory_space<hbm>>
    tpu.wait_dma2 semaphore(%arg13 : memref<!tpu.dma_semaphore, #tpu.memory_space<semaphore_mem>>) src(%arg8 : memref<128x256xf32, #tpu.memory_space<vmem>>) dst(%dma_wait3A_36 : memref<128x256xf32, #tpu.memory_space<hbm>>)
    return
  }
}

module attributes {stable_mosaic.version = 14 : i64} {
  func.func @_tc_body(%arg0: i32, %arg1: memref<512x129xf32, #tpu.memory_space<vmem>>, %arg2: memref<256x129xf32, #tpu.memory_space<vmem>>, %arg3: memref<1x256xf32, #tpu.memory_space<vmem>>, %arg4: memref<8192x256xf32, #tpu.memory_space<vmem>>, %arg5: memref<8192x256xbf16, #tpu.memory_space<vmem>>, %arg6: memref<512xi32, #tpu.memory_space<vmem>>, %arg7: memref<1x1xf32, #tpu.memory_space<vmem>>, %arg8: memref<1x8192xf32, #tpu.memory_space<vmem>>, %arg9: memref<1x8192xf32, #tpu.memory_space<vmem>>) attributes {dimension_semantics = [#tpu.dimension_semantics<arbitrary>], iteration_bounds = array<i64: 16>, scalar_prefetch = 0 : i64, scratch_operands = 2 : i64, tpu.core_type = #tpu.core_type<tc>, window_params = [{transform_indices = @transform_0, window_bounds = array<i64: 512, 129>}, {pipeline_mode = #tpu.pipeline_mode<synchronous>, transform_indices = @transform_1, window_bounds = array<i64: 256, 129>}, {pipeline_mode = #tpu.pipeline_mode<synchronous>, transform_indices = @transform_2, window_bounds = array<i64: 1, 256>}, {pipeline_mode = #tpu.pipeline_mode<synchronous>, transform_indices = @transform_3, window_bounds = array<i64: 8192, 256>}, {pipeline_mode = #tpu.pipeline_mode<synchronous>, transform_indices = @transform_4, window_bounds = array<i64: 8192, 256>}, {transform_indices = @transform_5, window_bounds = array<i64: 512>}, {pipeline_mode = #tpu.pipeline_mode<synchronous>, transform_indices = @transform_6, window_bounds = array<i64: 1, 1>}]} {
    %eq3A = arith.constant 0 : i32
    %eq3A_0 = arith.cmpi eq, %arg0, %eq3A : i32
    %convert_element_type3A = arith.extui %eq3A_0 : i1 to i32
    %cond3A = arith.constant 0 : i32
    %cond3A_1 = arith.cmpi ne, %convert_element_type3A, %cond3A : i32
    scf.if %cond3A_1 {
      %get3A_55 = arith.constant 0 : index
      %get3A_56 = arith.constant 0 : index
      %get3A_57 = vector.load %arg4[%get3A_55, %get3A_56] : memref<8192x256xf32, #tpu.memory_space<vmem>>, vector<8192x256xf32>
      %mul3A_58 = arith.mulf %get3A_57, %get3A_57 : vector<8192x256xf32>
      %reduce_sum3A_59 = arith.constant dense<0.000000e+00> : vector<8192xf32>
      %reduce_sum3A_60 = vector.multi_reduction <add>, %mul3A_58, %reduce_sum3A_59 [1] : vector<8192x256xf32> to vector<8192xf32>
      %reshape3A_61 = vector.shape_cast %reduce_sum3A_60 : vector<8192xf32> to vector<1x8192xf32>
      %swap3A_62 = arith.constant 0 : index
      %swap3A_63 = arith.constant 0 : index
      %swap3A_64 = vector.load %arg8[%swap3A_62, %swap3A_63] : memref<1x8192xf32, #tpu.memory_space<vmem>>, vector<1x8192xf32>
      tpu.vector_store %arg8[%swap3A_62, %swap3A_63], %reshape3A_61 {strides = array<i32>} : memref<1x8192xf32, #tpu.memory_space<vmem>>, vector<1x8192xf32>,
      %broadcast_in_dim3A_65 = arith.constant 0.000000e+00 : f32
      %broadcast_in_dim3A_66 = vector.broadcast %broadcast_in_dim3A_65 : f32 to vector<1x1xf32>
      %swap3A_67 = arith.constant 0 : index
      %swap3A_68 = arith.constant 0 : index
      %swap3A_69 = vector.load %arg7[%swap3A_67, %swap3A_68] : memref<1x1xf32, #tpu.memory_space<vmem>>, vector<1x1xf32>
      tpu.vector_store %arg7[%swap3A_67, %swap3A_68], %broadcast_in_dim3A_66 {strides = array<i32>} : memref<1x1xf32, #tpu.memory_space<vmem>>, vector<1x1xf32>,
      %iota3A = tpu.iota {dimensions = array<i32: 1>} : vector<1x8192xi32>
      %convert_element_type3A_70 = arith.sitofp %iota3A : vector<1x8192xi32> to vector<1x8192xf32>
      %swap3A_71 = arith.constant 0 : index
      %swap3A_72 = arith.constant 0 : index
      %swap3A_73 = vector.load %arg9[%swap3A_71, %swap3A_72] : memref<1x8192xf32, #tpu.memory_space<vmem>>, vector<1x8192xf32>
      tpu.vector_store %arg9[%swap3A_71, %swap3A_72], %convert_element_type3A_70 {strides = array<i32>} : memref<1x8192xf32, #tpu.memory_space<vmem>>, vector<1x8192xf32>,
    } else {
    }
    %get3A = arith.constant 0 : index
    %get3A_2 = arith.constant 0 : index
    %get3A_3 = vector.load %arg9[%get3A, %get3A_2] : memref<1x8192xf32, #tpu.memory_space<vmem>>, vector<1x8192xf32>
    %get3A_4 = arith.constant 0 : index
    %get3A_5 = arith.constant 0 : index
    %get3A_6 = vector.load %arg1[%get3A_4, %get3A_5] : memref<512x129xf32, #tpu.memory_space<vmem>>, vector<512x129xf32>
    %get3A_7 = arith.constant 0 : index
    %get3A_8 = arith.constant 0 : index
    %get3A_9 = vector.load %arg2[%get3A_7, %get3A_8] : memref<256x129xf32, #tpu.memory_space<vmem>>, vector<256x129xf32>
    %dot_general3A = arith.constant dense<0.000000e+00> : vector<512x256xf32>
    %dot_general3A_10 = tpu.matmul %get3A_6, %get3A_9, %dot_general3A {dimension_numbers = #tpu.dot_dimension_numbers<[1], [1], [0], [0], [0, 0, 1, 0], [], []>, transpose_lhs_hint = false} : vector<512x129xf32>, vector<256x129xf32>, vector<512x256xf32> -> vector<512x256xf32>
    %get3A_11 = arith.constant 0 : index
    %get3A_12 = arith.constant 0 : index
    %get3A_13 = vector.load %arg3[%get3A_11, %get3A_12] : memref<1x256xf32, #tpu.memory_space<vmem>>, vector<1x256xf32>
    %add3A = vector.broadcast %get3A_13 : vector<1x256xf32> to vector<512x256xf32>
    %add3A_14 = arith.addf %dot_general3A_10, %add3A : vector<512x256xf32>
    %mul3A = arith.constant -2.000000e+00 : f32
    %mul3A_15 = vector.broadcast %mul3A : f32 to vector<512x256xf32>
    %mul3A_16 = arith.mulf %mul3A_15, %add3A_14 : vector<512x256xf32>
    %convert_element_type3A_17 = arith.truncf %mul3A_16 : vector<512x256xf32> to vector<512x256xbf16>
    %get3A_18 = arith.constant 0 : index
    %get3A_19 = arith.constant 0 : index
    %get3A_20 = vector.load %arg5[%get3A_18, %get3A_19] : memref<8192x256xbf16, #tpu.memory_space<vmem>>, vector<8192x256xbf16>
    %dot_general3A_21 = arith.constant dense<0.000000e+00> : vector<512x8192xf32>
    %dot_general3A_22 = tpu.matmul %convert_element_type3A_17, %get3A_20, %dot_general3A_21 {dimension_numbers = #tpu.dot_dimension_numbers<[1], [1], [0], [0], [0, 0, 1, 0], [], []>, transpose_lhs_hint = false} : vector<512x256xbf16>, vector<8192x256xbf16>, vector<512x8192xf32> -> vector<512x8192xf32>
    %mul3A_23 = arith.mulf %add3A_14, %add3A_14 : vector<512x256xf32>
    %reduce_sum3A = arith.constant dense<0.000000e+00> : vector<512xf32>
    %reduce_sum3A_24 = vector.multi_reduction <add>, %mul3A_23, %reduce_sum3A [1] : vector<512x256xf32> to vector<512xf32>
    %broadcast_in_dim3A = vector.shape_cast %reduce_sum3A_24 : vector<512xf32> to vector<512x1xf32>
    %add3A_25 = vector.broadcast %broadcast_in_dim3A : vector<512x1xf32> to vector<512x8192xf32>
    %add3A_26 = arith.addf %add3A_25, %dot_general3A_22 : vector<512x8192xf32>
    %get3A_27 = arith.constant 0 : index
    %get3A_28 = arith.constant 0 : index
    %get3A_29 = vector.load %arg8[%get3A_27, %get3A_28] : memref<1x8192xf32, #tpu.memory_space<vmem>>, vector<1x8192xf32>
    %add3A_30 = vector.broadcast %get3A_29 : vector<1x8192xf32> to vector<512x8192xf32>
    %add3A_31 = arith.addf %add3A_26, %add3A_30 : vector<512x8192xf32>
    %reduce_min3A = arith.constant dense<0x7F800000> : vector<512xf32>
    %reduce_min3A_32 = vector.multi_reduction <minimumf>, %add3A_31, %reduce_min3A [1] : vector<512x8192xf32> to vector<512xf32>
    %broadcast_in_dim3A_33 = vector.shape_cast %reduce_min3A_32 : vector<512xf32> to vector<512x1xf32>
    %eq3A_34 = vector.broadcast %broadcast_in_dim3A_33 : vector<512x1xf32> to vector<512x8192xf32>
    %eq3A_35 = arith.cmpf oeq, %add3A_31, %eq3A_34 : vector<512x8192xf32>
    %jit3A = arith.constant 8.192000e+03 : f32
    %broadcast_in_dim3A_36 = vector.shape_cast %get3A_3 : vector<1x8192xf32> to vector<1x8192xf32>
    %broadcast_in_dim3A_37 = vector.broadcast %broadcast_in_dim3A_36 : vector<1x8192xf32> to vector<512x8192xf32>
    %broadcast_in_dim3A_38 = vector.broadcast %jit3A : f32 to vector<512x8192xf32>
    %select_n3A = arith.select %eq3A_35, %broadcast_in_dim3A_37, %broadcast_in_dim3A_38 : vector<512x8192xi1>, vector<512x8192xf32>
    %reduce_min3A_39 = arith.constant dense<0x7F800000> : vector<512xf32>
    %reduce_min3A_40 = vector.multi_reduction <minimumf>, %select_n3A, %reduce_min3A_39 [1] : vector<512x8192xf32> to vector<512xf32>
    %convert_element_type3A_41 = arith.fptosi %reduce_min3A_40 : vector<512xf32> to vector<512xi32>
    %swap3A = arith.constant 0 : index
    %swap3A_42 = vector.load %arg6[%swap3A] : memref<512xi32, #tpu.memory_space<vmem>>, vector<512xi32>
    tpu.vector_store %arg6[%swap3A], %convert_element_type3A_41 {strides = array<i32>} : memref<512xi32, #tpu.memory_space<vmem>>, vector<512xi32>,
    %get3A_43 = arith.constant 0 : index
    %get3A_44 = arith.constant 0 : index
    %get3A_45 = vector.load %arg7[%get3A_43, %get3A_44] : memref<1x1xf32, #tpu.memory_space<vmem>>, vector<1x1xf32>
    %reduce_sum3A_46 = vector.shape_cast %broadcast_in_dim3A_33 : vector<512x1xf32> to vector<1x512x1xf32>
    %reduce_sum3A_47 = arith.constant dense<0.000000e+00> : vector<1xf32>
    %reduce_sum3A_48 = vector.multi_reduction <add>, %reduce_sum3A_46, %reduce_sum3A_47 [1, 2] : vector<1x512x1xf32> to vector<1xf32>
    %reduce_sum3A_49 = vector.shape_cast %reduce_sum3A_48 : vector<1xf32> to vector<1x1x1xf32>
    %reduce_sum3A_50 = vector.extract %reduce_sum3A_49[0, 0, 0] : f32 from vector<1x1x1xf32>
    %reshape3A = vector.broadcast %reduce_sum3A_50 : f32 to vector<1x1xf32>
    %add3A_51 = arith.addf %get3A_45, %reshape3A : vector<1x1xf32>
    %swap3A_52 = arith.constant 0 : index
    %swap3A_53 = arith.constant 0 : index
    %swap3A_54 = vector.load %arg7[%swap3A_52, %swap3A_53] : memref<1x1xf32, #tpu.memory_space<vmem>>, vector<1x1xf32>
    tpu.vector_store %arg7[%swap3A_52, %swap3A_53], %add3A_51 {strides = array<i32>} : memref<1x1xf32, #tpu.memory_space<vmem>>, vector<1x1xf32>,
    return
  }
  func.func @transform_0(%arg0: i32) -> (i32, i32) {
    %c0_i32 = arith.constant 0 : i32
    %c0_i32_0 = arith.constant 0 : i32
    return %arg0, %c0_i32 : i32, i32
  }
  func.func @transform_1(%arg0: i32) -> (i32, i32) {
    %c0_i32 = arith.constant 0 : i32
    %c0_i32_0 = arith.constant 0 : i32
    %c0_i32_1 = arith.constant 0 : i32
    return %c0_i32, %c0_i32_0 : i32, i32
  }
  func.func @transform_2(%arg0: i32) -> (i32, i32) {
    %c0_i32 = arith.constant 0 : i32
    %c0_i32_0 = arith.constant 0 : i32
    %c0_i32_1 = arith.constant 0 : i32
    return %c0_i32, %c0_i32_0 : i32, i32
  }
  func.func @transform_3(%arg0: i32) -> (i32, i32) {
    %c0_i32 = arith.constant 0 : i32
    %c0_i32_0 = arith.constant 0 : i32
    %c0_i32_1 = arith.constant 0 : i32
    return %c0_i32, %c0_i32_0 : i32, i32
  }
  func.func @transform_4(%arg0: i32) -> (i32, i32) {
    %c0_i32 = arith.constant 0 : i32
    %c0_i32_0 = arith.constant 0 : i32
    %c0_i32_1 = arith.constant 0 : i32
    return %c0_i32, %c0_i32_0 : i32, i32
  }
  func.func @transform_5(%arg0: i32) -> i32 {
    %c0_i32 = arith.constant 0 : i32
    return %arg0 : i32
  }
  func.func @transform_6(%arg0: i32) -> (i32, i32) {
    %c0_i32 = arith.constant 0 : i32
    %c0_i32_0 = arith.constant 0 : i32
    %c0_i32_1 = arith.constant 0 : i32
    return %c0_i32, %c0_i32_0 : i32, i32
  }
}

</mosaic_0001>

<sc_bundles>
// kernel: kernel.4.cloned.1.call-start
scs
__scs_entry_jumppad:
0x0: {  	(pc) =	sbr.rel $0x88, $3  }
0x1: {  	(tag) =	ssettag $0x0;
	lr =	simm.s32 $0x1  }
0x2: {  	[smem:$0x3F9C] =	sst lr;
	_ =	strace $0xD0000000  }
0x3: {  	_ = 	snop  }
0x4: {  	_ = 	snop  }
0x5: {  	_ = 	snop  }
0x6: {  	_ = 	snop  }
0x7: {  	_ = 	snop  }
__scs_overlays_trampoline_lowered:
0x8: {  	[smem:$0x3FAB] =	sst s0  }
0x9: {  	[smem:$0x3FAC] =	sst s1  }
0xa: {  	[smem:$0x3FAD] =	sst s2  }
0xb: {  	[smem:$0x3FAE] =	sst s3  }
0xc: {  	[smem:$0x3FAF] =	sst s4  }
0xd: {  	[smem:$0x3FB0] =	sst s5  }
0xe: {  	[smem:$0x3FB1] =	sst s6  }
0xf: {  	[smem:$0x3FB2] =	sst s7  }
0x10: {  	[smem:$0x3FB3] =	sst s8  }
0x11: {  	[smem:$0x3FB4] =	sst s9;
	s0 =	simm.s32 @!p0 $0x0  }
0x12: {  	s1 =	sld [smem:$0x3F9A];
	s0 =	simm.s32 @p0 $0x1  }
0x13: {  	[smem:$0x3FB5] =	sst s0;
	s0 =	simm.s32 @!p1 $0x0  }
0x14: {  	s2 =	sld [smem:$0x3F99];
	s0 =	simm.s32 @p1 $0x1  }
0x15: {  	[smem:$0x3FB6] =	sst s0;
	s0 =	simm.s32 @!p2 $0x0  }
0x16: {  	s3 =	sld [smem:$0x3FDB];
	s0 =	simm.s32 @p2 $0x1  }
0x17: {  	s4 =	simm.s32 $0x1BF5;
	[smem:$0x3FB8] =	sst s0  }
0x18: {  	s0 =	sld [smem:$0x3F9B];
	_ =	swait.ge [sflag:s4], $0x0  }
0x19: {  	s7 =	sld [smem:$0x3F9C]  }
0x1a: {  	s8 =	sadd.s32 $0xFFFFE003, lr  }
0x1b: {  	s9 =	sadd.s32 $0xFFFFFEF7, lr;
	s5 =	simm.s32 $0xFFFFFFFF;
	p2 =	slt.u32 s8, $0xFFFFF086  }
0x1c: {  	p1 =	slt.u32 s9, $0xF7A;
	s5 =	simm.s32 @!p2 $0x0  }
0x1d: {  	s5 =	simm.s32 @p1 $0x1;
	p0 =	seq.s32 s7, s2  }
0x1e: {  	s7 =	smul.u32 @!p0 $0xF7A, s2;
	p2 =	seq.s32 @!p0 s5, $0x0  }
0x1f: {  	s9 =	smul.u32 $0xF7A, s1;
	s8 =	simm.s32 @!p0 $0x1BF5;
	p2 =	por !p2, p0  }
0x20: {  	[sflag:s8] =	ssyncset.s32 @!p0 $0xFFFFF086;
	s6 =	sadd.s32 @!p0 s3, s7;
	s7 =	simm.s32 @!p0 $0x108  }
0x21: {  	s3 =	sadd.s32 s3, s9;
	s6 =	sadd.s32 @!p0 $0x88, s6;
	s7 =	simm.s32 @p2 $0x1082  }
0x22: {  	[simem:s7], [sflag:s8] =	dma.local @!p0 [hbm:s6], $0xF7A  }
0x23: {  	s9 =	sor.u32 $0xD0000000, s2;
	s6 =	simm.s32 $0x108;
	_ =	swait.ge @!p0 [sflag:s8], $0x0  }
0x24: {  	s3 =	sadd.s32 $0x88, s3;
	s6 =	simm.s32 @!p1 $0x1082;
	[sflag:s4] =	ssyncset.s32 $0xFFFFF086  }
0x25: {  	[simem:s6], [sflag:s4] =	dma.local [hbm:s3], $0xF7A  }
0x26: {  	[smem:$0x3F9C] =	sst s1;
	(tag) =	ssettag s2;
	_ =	strace s9  }
0x27: {  	s1 =	sld [smem:$0x3FAC]  }
0x28: {  	s2 =	sld [smem:$0x3FAD]  }
0x29: {  	s4 =	sld [smem:$0x3FAF]  }
0x2a: {  	p0 =	seq.s32 s5, $0x0;
	s5 =	sld [smem:$0x3FB0]  }
0x2b: {  	s6 =	sld [smem:$0x3FB1]  }
0x2c: {  	s7 =	sld [smem:$0x3FB2]  }
0x2d: {  	s3 =	simm.s32 $0x108;
	s8 =	sld [smem:$0x3FB3]  }
0x2e: {  	s3 =	simm.s32 @!p0 $0x1082;
	s9 =	sld [smem:$0x3FB4]  }
0x2f: {  	lr =	sadd.s32 s0, s3;
	s0 =	sld [smem:$0x3FAB]  }
0x30: {  	s3 =	sld [smem:$0x3FAE]  }
0x31: {  	[smem:$0x3FB7] =	sst s10  }
0x32: {  	s10 =	sld [smem:$0x3FB5];
	_ =	sdelay $0x3  }
0x33: {  	p0 =	seq.s32 s10, $0x1;
	s10 =	sld [smem:$0x3FB7];
	_ =	sdelay $0x3  }
0x34: {  	[smem:$0x3FB7] =	sst s10  }
0x35: {  	s10 =	sld [smem:$0x3FB6];
	_ =	sdelay $0x3  }
0x36: {  	p1 =	seq.s32 s10, $0x1;
	s10 =	sld [smem:$0x3FB7];
	_ =	sdelay $0x3  }
0x37: {  	[smem:$0x3FB7] =	sst s10  }
0x38: {  	s10 =	sld [smem:$0x3FB8]  }
0x39: {  	_ = 	snop;
	(pc) =	sbr.ind lr, $3  }
0x3a: {  	_ = 	snop  }
0x3b: {  	_ = 	snop  }
0x3c: {  	p2 =	seq.s32 s10, $0x1;
	s10 =	sld [smem:$0x3FB7]  }
0x3d: {  	_ =	shalt  }
0x3e: {  	_ =	shalt  }
0x3f: {  	_ =	shalt  }
0x40: {  	_ =	shalt  }
0x41: {  	_ =	shalt  }
0x42: {  	_ =	shalt  }
0x43: {  	_ =	shalt  }
0x44: {  	_ =	shalt  }
0x45: {  	_ =	shalt  }
0x46: {  	_ =	shalt  }
0x47: {  	_ =	shalt  }
0x48: {  	_ =	shalt  }
0x49: {  	_ =	shalt  }
0x4a: {  	_ =	shalt  }
0x4b: {  	_ =	shalt  }
0x4c: {  	_ =	shalt  }
0x4d: {  	_ =	shalt  }
0x4e: {  	_ =	shalt  }
0x4f: {  	_ =	shalt  }
0x50: {  	_ =	shalt  }
0x51: {  	_ =	shalt  }
0x52: {  	_ =	shalt  }
0x53: {  	_ =	shalt  }
0x54: {  	_ =	shalt  }
0x55: {  	_ =	shalt  }
0x56: {  	_ =	shalt  }
0x57: {  	_ =	shalt  }
0x58: {  	_ =	shalt  }
0x59: {  	_ =	shalt  }
0x5a: {  	_ =	shalt  }
0x5b: {  	_ =	shalt  }
0x5c: {  	_ =	shalt  }
0x5d: {  	_ =	shalt  }
0x5e: {  	_ =	shalt  }
0x5f: {  	_ =	shalt  }
0x60: {  	_ =	shalt  }
0x61: {  	_ =	shalt  }
0x62: {  	_ =	shalt  }
0x63: {  	_ =	shalt  }
0x64: {  	_ =	shalt  }
0x65: {  	_ =	shalt  }
0x66: {  	_ =	shalt  }
0x67: {  	_ =	shalt  }
0x68: {  	_ =	shalt  }
0x69: {  	_ =	shalt  }
0x6a: {  	_ =	shalt  }
0x6b: {  	_ =	shalt  }
0x6c: {  	_ =	shalt  }
0x6d: {  	_ =	shalt  }
0x6e: {  	_ =	shalt  }
0x6f: {  	_ =	shalt  }
0x70: {  	_ =	shalt  }
0x71: {  	_ =	shalt  }
0x72: {  	_ =	shalt  }
0x73: {  	_ =	shalt  }
0x74: {  	_ =	shalt  }
0x75: {  	_ =	shalt  }
0x76: {  	_ =	shalt  }
0x77: {  	_ =	shalt  }
0x78: {  	_ =	shalt  }
0x79: {  	_ =	shalt  }
0x7a: {  	_ =	shalt  }
0x7b: {  	_ =	shalt  }
0x7c: {  	_ =	shalt  }
0x7d: {  	_ =	shalt  }
0x7e: {  	_ =	shalt  }
0x7f: {  	_ =	shalt  }
0x80: {  	_ =	shalt  }
0x81: {  	_ =	shalt  }
0x82: {  	_ =	shalt  }
0x83: {  	_ =	shalt  }
0x84: {  	_ =	shalt  }
0x85: {  	_ =	shalt  }
0x86: {  	_ =	shalt  }
0x87: {  	_ =	shalt  }
.Lfunc_end0:
.L_simem_size_0:
called_computation_lowered:
.L_overlay_start_0:
0x88: {  	s2 =	sld [smem:$0x3FD9]  }
0x89: {  	s3 =	sld [smem:$0x3FFE];
	_ =	sdelay $0x1  }
0x8a: {  	s1 =	srdreg.scid  }
0x8b: {  	s0 =	sand.u32 $0x1, s1  }
0x8c: {  	s14 =	sshll.u32 s0, $0xA;
	s2 =	sadd.s32 s3, s2  }
0x8d: {  	s2 =	sadd.s32 s2, s14  }
0x8e: {  	[smem:$0x3FC3] =	sst s2  }
0x8f: {  	_ = 	snop  }
0x90: {  	s2 =	sld [smem:$0x3FD0];
	_ =	sdelay $0x1  }
0x91: {  	s15 =	sld [smem:$0x3FC6]  }
0x92: {  	s5 =	simm.s32 $0xA;
	s6 =	simm.s32 $0x10;
	s4 =	sld [smem:$0x3FC5]  }
0x93: {  	[smem:s6], [sflag:s5] =	dma.local [hbm:s2], $0x1  }
0x94: {  	_ =	swait.eq [sflag:s5], $0x1  }
0x95: {  	[sflag:s5] =	ssyncset.done $0x0  }
0x96: {  	[sflag:s5] =	ssyncadd.s32 $0xFFFFFFFF  }
0x97: {  	s16 =	sld [smem:$0x10];
	(tm) =	ssettm $0x1  }
0x98: {  	s17 =	sld [smem:$0x3FFB];
	_ =	sdelay $0x3  }
0x99: {  	_ =	strace s17  }
0x9a: {  	s5 =	sld [smem:$0x3FFC];
	_ =	sdelay $0x3  }
0x9b: {  	_ =	strace s5  }
0x9c: {  	s5 =	sld [smem:$0x3FFD];
	_ =	sdelay $0x3  }
0x9d: {  	_ =	strace s5  }
0x9e: {  	_ =	strace $0x8FFFFFFF  }
0x9f: {  	s18 =	sld [smem:$0x3FDB];
	_ =	sdelay $0x1  }
0xa0: {  	s19 =	simm.s32 $_scs_section_size  }
0xa1: {  	s7 =	simm.s32 $_size__tile_overlayer_lowered;
	s8 =	simm.s32 $_tile_overlayer_lowered  }
0xa2: {  	s22 =	simm.s32 $0x1BFF;
	s21 =	sshll.u32 s8, $0x1;
	s5 =	sadd.s32 s19, s18  }
0xa3: {  	s9 =	simm.s32 $0x0;
	s20 =	sshll.u32 s7, $0x1;
	s7 =	sadd.s32 s21, s5  }
0xa4: {  	[timem:s9], [sflag:s22] =	dma.local [hbm:s7], s20  }
0xa5: {  	_ =	swait.ge [sflag:s22], s20  }
0xa6: {  	s6 =	ssub.s32 $0x0, s20;
	[sflag:s22] =	ssyncset.done $0x0  }
0xa7: {  	[sflag:s22] =	ssyncadd.s32 s6;
	_ =	sdelay $0x1  }
0xa8: {  	s23 =	simm.s32 $0x1B8B  }
0xa9: {  	_ =	swait.ge [sflag:s23], $0x1  }
0xaa: {  	[sflag:s23] =	ssyncset.done $0x0  }
0xab: {  	s25 =	simm.s32 $0x1B8E;
	s24 =	sld [smem:$0x3FFE];
	[sflag:s23] =	ssyncadd.s32 $0xFFFFFFFF  }
0xac: {  	s26 =	simm.s32 $execute0_lowered;
	[smem:$0x3FD2] =	sst s25  }
0xad: {  	s7 =	sshll.u32 s26, $0x1;
	_ =	strace $0x80000046;
	[dreg:$0x1] =	wrdreg $0xFFFFFFFF  }
0xae: {  	s28 =	simm.s32 $_size_execute0_lowered;
	s5 =	sadd.s32 s5, s7;
	[dreg:$0x0] =	wrdreg $0x0  }
0xaf: {  	s7 =	sshll.u32 s28, $0x1;
	[dreg:$0x2] =	wrdreg s5  }
0xb0: {  	[dreg:$0x3] =	wrdreg s7  }
0xb1: {  	[dreg:$0x4] =	wrdreg $0xC0  }
0xb2: {  	_ =	task [dreg:s9], $0x5FFFF  }
0xb3: {  	[dreg:$0x1] =	wrdreg $0xFFFFFFFF  }
0xb4: {  	[dreg:$0x0] =	wrdreg $0x60  }
0xb5: {  	[dreg:$0x2] =	wrdreg s15  }
0xb6: {  	[dreg:$0x3] =	wrdreg s24  }
0xb7: {  	[dreg:$0x4] =	wrdreg s4  }
0xb8: {  	[dreg:$0x5] =	wrdreg s16  }
0xb9: {  	[dreg:$0x6] =	wrdreg $0x9  }
0xba: {  	_ =	task.clear_ibuf [dreg:s9], $0x7FFFF;
	_ =	strace $0x90000046  }
0xbb: {  	s29 =	simm.s32 $0x9;
	_ =	strace $0x80000048  }
0xbc: {  	_ =	swait.ge [sflag:s29], $0x1  }
0xbd: {  	[sflag:s29] =	ssyncadd.s32 $0xFFFFFFFF  }
0xbe: {  	_ =	strace $0x90000048  }
0xbf: {  	_ =	sfence  }
0xc0: {  	s30 =	sld [smem:$0x0];
	_ =	sdelay $0x2  }
0xc1: {  	s31 =	sshll.u32 s1, $0xD;
	s1 =	sshrl.u32 s1, $0x2  }
0xc2: {  	s3 =	sand.u32 $0x4000, s31;
	s1 =	sadd.s32 s1, s30  }
0xc3: {  	s0 =	sor.u32 s3, s0;
	s1 =	sshll.u32 s1, $0x11  }
0xc4: {  	s0 =	sor.u32 s1, s0  }
0xc5: {  	s0 =	sadd.s32 $0x8F2B, s0  }
0xc6: {  	[sflag:s0] =	ssyncadd.remote.s32 $0x1  }
0xc7: {  	_ =	sfence.sel $0xFFFF  }
0xc8: {  	[dreg:$0x0] =	wrdreg $0xFFFFFFFF;
	(pc) =	sbr.abs _section_cstart, $3  }
0xc9: {  	[dreg:$0x1] =	wrdreg $0xFFFFFFFF  }
0xca: {  	_ =	task.clear_ibuf [dreg:s9], $0x2FFFF;
	_ =	strace $0x9FFFFFFF  }
0xcb: {  	(tm) =	ssettm $0x7FFFFFFF  }
tec
execute0_lowered:
.L_overlay_start_1:
0x0: {  	(tag) =	ssettag $0x1  }
0x1: {  	s1 =	rddreg [dreg:$0x0]  }
0x2: {  	s0 =	rddreg [dreg:$0x1]  }
0x3: {  	s2 =	rddreg [dreg:$0x2]  }
0x4: {  	s9 =	rddreg [dreg:$0x3];
	s4 =	srdreg.scid;
	s3 =	simm.s32 $0x0  }
0x5: {  	s5 =	stileid.u32;
	s30 =	simm.s32 $0x8100;
	s16 =	simm.s32 $0xB900  }
0x6: {  	s17 =	simm.s32 $0xC100;
	s18 =	simm.s32 $0xC900;
	s19 =	simm.s32 $0xD100  }
0x7: {  	s28 =	simm.s32 $0x2;
	s29 =	simm.s32 $0x3;
	s31 =	simm.s32 $0x0  }
0x8: {  	s6 =	sand.u32 $0x1, s4;
	[smem:$0x7FF] =	sst s3;
	s20 =	sshll.u32 s5, $0x9  }
0x9: {  	s0 =	sadd.s32 $0x1A00, s0;
	s21 =	sshll.u32 s6, $0x8;
	_ =	strace $0x80000047  }
0xa: {  	s22 =	ssub.s32 $0x2, s6;
	s24 =	sshll.u32 s6, $0xD;
	s7 =	sor.u32 s21, s20  }
0xb: {  	s23 =	sshrl.u32 s22, $0x1;
	s6 =	sadd.s32 s2, s24;
	s20 =	simm.s32 $0xD900  }
0xc: {  	s21 =	simm.s32 $0xE100;
	s24 =	simm.s32 $0xF900;
	s8 =	sor.u32 $0x80, s7  }
0xd: {  	s10 =	sshrl.u32 s7, $0x3;
	s12 =	ssub.s32 s22, s23;
	s7 =	sshll.u32 s7, $0x5  }
0xe: {  	s22 =	simm.s32 $0xE900;
	s23 =	simm.s32 $0xF100;
	s11 =	sshrl.u32 s8, $0x3  }
0xf: {  	s4 =	sadd.s32 s0, s10;
	s25 =	sshll.u32 s8, $0x5;
	s7 =	sadd.s32 s9, s7  }
0x10: {  	v2 =	vlaneseq.u32;
	s10 =	smax.u32 s12, $0x1;
	s12 =	simm.s32 $0x100;
	s5 =	sadd.s32 s0, s11  }
0x11: {  	vm0 =	vmmov $0xffff;
	v1 =	vshrl.u32 v2, $0x3;
	s26 =	sand.u32 $0x3000, s25;
	s9 =	sadd.s32 s9, s25;
	s11 =	simm.s32 $0x4  }
0x12: {  	v0 =	vand.u32 $0x7, v2;
	v2 =	vor.u32 $0x8, v2;
	v1 =	vmul.u32 $0x8, v1;
	s25 =	simm.s32 $0x10100;
	s8 =	sadd.s32 s2, s26;
	s26 =	simm.s32 $0x1  }
.LBB2_1:
0x13: {  	[tilespmem:s3], [sflag:$0x4] =	stream.linear.gather [hbm4b:s4+s3], $0x80, $0x38;
	[tilespmem:$0x18100] =	vst v63  }
0x14: {  	_ =	swait.ge [sflag:s11], $0x80  }
0x15: {  	[sflag:s11] =	ssyncset.done $0x0  }
0x16: {  	[sflag:s11] =	ssyncadd.s32 $0xFFFFFF80  }
0x17: {  	v3 =	vld [tilespmem:$0x0];
	_ =	sdelay $0x4  }
0x18: {  	v4 =	vshll.u32 v3, $0x1  }
0x19: {  	v3 =	vand.u32 $0x7, v3;
	v4 =	vand.u32 $0xFFFFFFF0, v4  }
0x1a: {  	v3 =	vor.u32 v3, v4  }
0x1b: {  	v4 =	vperm.xlane v3, v0;
	_ =	sdelay $0x1  }
0x1c: {  	v3 =	vperm.xlane v3, v2;
	v4 =	vadd.s32 v1, v4;
	_ =	sdelay $0x1  }
0x1d: {  	v3 =	vadd.s32 v1, v3;
	_ =	sdelay $0x2  }
0x1e: {  	[tilespmem:s12], [sflag:$0x1] =	stream.indirect_vreg.gather [hbm4b:s1+s3], $0x80, v4, vm0, $0xb8;
	[tilespmem:$0x18100] =	vst v63  }
0x1f: {  	s0 =	simm.s32 $0x900  }
0x20: {  	[tilespmem:s0], [sflag:$0x1] =	stream.indirect_vreg.gather [hbm4b:s1+s3], $0x80, v3, vm0, $0xb8;
	[tilespmem:$0x18100] =	vst v63  }
0x21: {  	v3 =	vld [tilespmem:$0x10];
	_ =	sdelay $0x4  }
0x22: {  	v4 =	vshll.u32 v3, $0x1  }
0x23: {  	v3 =	vand.u32 $0x7, v3;
	v4 =	vand.u32 $0xFFFFFFF0, v4  }
0x24: {  	v3 =	vor.u32 v3, v4  }
0x25: {  	v4 =	vperm.xlane v3, v0;
	_ =	sdelay $0x1  }
0x26: {  	v3 =	vperm.xlane v3, v2;
	v4 =	vadd.s32 v1, v4;
	_ =	sdelay $0x1  }
0x27: {  	v3 =	vadd.s32 v1, v3;
	_ =	sdelay $0x1  }
0x28: {  	s14 =	simm.s32 $0x1100  }
0x29: {  	[tilespmem:s14], [sflag:$0x1] =	stream.indirect_vreg.gather [hbm4b:s1+s3], $0x80, v4, vm0, $0xb8;
	[tilespmem:$0x18100] =	vst v63  }
0x2a: {  	s15 =	simm.s32 $0x1900  }
0x2b: {  	[tilespmem:s15], [sflag:$0x1] =	stream.indirect_vreg.gather [hbm4b:s1+s3], $0x80, v3, vm0, $0xb8;
	[tilespmem:$0x18100] =	vst v63  }
0x2c: {  	v3 =	vld [tilespmem:$0x20];
	_ =	sdelay $0x4  }
0x2d: {  	v4 =	vshll.u32 v3, $0x1  }
0x2e: {  	v3 =	vand.u32 $0x7, v3;
	v4 =	vand.u32 $0xFFFFFFF0, v4  }
0x2f: {  	v3 =	vor.u32 v3, v4  }
0x30: {  	v4 =	vperm.xlane v3, v0;
	_ =	sdelay $0x1  }
0x31: {  	v3 =	vperm.xlane v3, v2;
	v4 =	vadd.s32 v1, v4;
	_ =	sdelay $0x1  }
0x32: {  	v3 =	vadd.s32 v1, v3;
	_ =	sdelay $0x1  }
0x33: {  	s2 =	simm.s32 $0x2100  }
0x34: {  	[tilespmem:s2], [sflag:$0x1] =	stream.indirect_vreg.gather [hbm4b:s1+s3], $0x80, v4, vm0, $0xb8;
	[tilespmem:$0x18100] =	vst v63  }
0x35: {  	s13 =	simm.s32 $0x2900  }
0x36: {  	[tilespmem:s13], [sflag:$0x1] =	stream.indirect_vreg.gather [hbm4b:s1+s3], $0x80, v3, vm0, $0xb8;
	[tilespmem:$0x18100] =	vst v63  }
0x37: {  	v3 =	vld [tilespmem:$0x30];
	_ =	sdelay $0x4  }
0x38: {  	v4 =	vshll.u32 v3, $0x1  }
0x39: {  	v3 =	vand.u32 $0x7, v3;
	v4 =	vand.u32 $0xFFFFFFF0, v4  }
0x3a: {  	v3 =	vor.u32 v3, v4  }
0x3b: {  	v4 =	vperm.xlane v3, v0;
	_ =	sdelay $0x1  }
0x3c: {  	v3 =	vperm.xlane v3, v2;
	v4 =	vadd.s32 v1, v4;
	_ =	sdelay $0x1  }
0x3d: {  	v3 =	vadd.s32 v1, v3;
	_ =	sdelay $0x1  }
0x3e: {  	s14 =	simm.s32 $0x3100  }
0x3f: {  	[tilespmem:s14], [sflag:$0x1] =	stream.indirect_vreg.gather [hbm4b:s1+s3], $0x80, v4, vm0, $0xb8;
	[tilespmem:$0x18100] =	vst v63  }
0x40: {  	s15 =	simm.s32 $0x3900  }
0x41: {  	[tilespmem:s15], [sflag:$0x1] =	stream.indirect_vreg.gather [hbm4b:s1+s3], $0x80, v3, vm0, $0xb8;
	[tilespmem:$0x18100] =	vst v63  }
0x42: {  	v3 =	vld [tilespmem:$0x40];
	_ =	sdelay $0x4  }
0x43: {  	v4 =	vshll.u32 v3, $0x1  }
0x44: {  	v3 =	vand.u32 $0x7, v3;
	v4 =	vand.u32 $0xFFFFFFF0, v4  }
0x45: {  	v3 =	vor.u32 v3, v4  }
0x46: {  	v4 =	vperm.xlane v3, v0;
	_ =	sdelay $0x1  }
0x47: {  	v3 =	vperm.xlane v3, v2;
	v4 =	vadd.s32 v1, v4;
	_ =	sdelay $0x1  }
0x48: {  	v3 =	vadd.s32 v1, v3;
	_ =	sdelay $0x1  }
0x49: {  	s2 =	simm.s32 $0x4100  }
0x4a: {  	[tilespmem:s2], [sflag:$0x1] =	stream.indirect_vreg.gather [hbm4b:s1+s3], $0x80, v4, vm0, $0xb8;
	[tilespmem:$0x18100] =	vst v63  }
0x4b: {  	s13 =	simm.s32 $0x4900  }
0x4c: {  	[tilespmem:s13], [sflag:$0x1] =	stream.indirect_vreg.gather [hbm4b:s1+s3], $0x80, v3, vm0, $0xb8;
	[tilespmem:$0x18100] =	vst v63  }
0x4d: {  	v3 =	vld [tilespmem:$0x50];
	_ =	sdelay $0x4  }
0x4e: {  	v4 =	vshll.u32 v3, $0x1  }
0x4f: {  	v3 =	vand.u32 $0x7, v3;
	v4 =	vand.u32 $0xFFFFFFF0, v4  }
0x50: {  	v3 =	vor.u32 v3, v4  }
0x51: {  	v4 =	vperm.xlane v3, v0;
	_ =	sdelay $0x1  }
0x52: {  	v3 =	vperm.xlane v3, v2;
	v4 =	vadd.s32 v1, v4;
	_ =	sdelay $0x1  }
0x53: {  	v3 =	vadd.s32 v1, v3;
	_ =	sdelay $0x1  }
0x54: {  	s14 =	simm.s32 $0x5100  }
0x55: {  	[tilespmem:s14], [sflag:$0x1] =	stream.indirect_vreg.gather [hbm4b:s1+s3], $0x80, v4, vm0, $0xb8;
	[tilespmem:$0x18100] =	vst v63  }
0x56: {  	s15 =	simm.s32 $0x5900  }
0x57: {  	[tilespmem:s15], [sflag:$0x1] =	stream.indirect_vreg.gather [hbm4b:s1+s3], $0x80, v3, vm0, $0xb8;
	[tilespmem:$0x18100] =	vst v63  }
0x58: {  	v3 =	vld [tilespmem:$0x60];
	_ =	sdelay $0x4  }
0x59: {  	v4 =	vshll.u32 v3, $0x1  }
0x5a: {  	v3 =	vand.u32 $0x7, v3;
	v4 =	vand.u32 $0xFFFFFFF0, v4  }
0x5b: {  	v3 =	vor.u32 v3, v4  }
0x5c: {  	v4 =	vperm.xlane v3, v0;
	_ =	sdelay $0x1  }
0x5d: {  	v3 =	vperm.xlane v3, v2;
	v4 =	vadd.s32 v1, v4;
	_ =	sdelay $0x1  }
0x5e: {  	v3 =	vadd.s32 v1, v3;
	_ =	sdelay $0x1  }
0x5f: {  	s2 =	simm.s32 $0x6100  }
0x60: {  	[tilespmem:s2], [sflag:$0x1] =	stream.indirect_vreg.gather [hbm4b:s1+s3], $0x80, v4, vm0, $0xb8;
	[tilespmem:$0x18100] =	vst v63  }
0x61: {  	s13 =	simm.s32 $0x6900  }
0x62: {  	[tilespmem:s13], [sflag:$0x1] =	stream.indirect_vreg.gather [hbm4b:s1+s3], $0x80, v3, vm0, $0xb8;
	[tilespmem:$0x18100] =	vst v63  }
0x63: {  	v3 =	vld [tilespmem:$0x70];
	_ =	sdelay $0x4  }
0x64: {  	v4 =	vshll.u32 v3, $0x1  }
0x65: {  	v3 =	vand.u32 $0x7, v3;
	v4 =	vand.u32 $0xFFFFFFF0, v4  }
0x66: {  	v3 =	vor.u32 v3, v4  }
0x67: {  	v4 =	vperm.xlane v3, v0;
	_ =	sdelay $0x1  }
0x68: {  	v3 =	vperm.xlane v3, v2;
	v4 =	vadd.s32 v1, v4;
	_ =	sdelay $0x1  }
0x69: {  	v3 =	vadd.s32 v1, v3;
	_ =	sdelay $0x1  }
0x6a: {  	s14 =	simm.s32 $0x7100  }
0x6b: {  	[tilespmem:s14], [sflag:$0x1] =	stream.indirect_vreg.gather [hbm4b:s1+s3], $0x80, v4, vm0, $0xb8;
	[tilespmem:$0x18100] =	vst v63  }
0x6c: {  	s15 =	simm.s32 $0x7900  }
0x6d: {  	[tilespmem:s15], [sflag:$0x1] =	stream.indirect_vreg.gather [hbm4b:s1+s3], $0x80, v3, vm0, $0xb8;
	[tilespmem:$0x18100] =	vst v63  }
0x6e: {  	s2 =	simm.s32 $0x80  }
0x6f: {  	[tilespmem:s2], [sflag:$0x4] =	stream.linear.gather [hbm4b:s5+s3], $0x80, $0x38;
	[tilespmem:$0x18100] =	vst v63  }
0x70: {  	_ =	swait.ge [sflag:s11], $0x80  }
0x71: {  	[sflag:s11] =	ssyncset.done $0x0  }
0x72: {  	[sflag:s11] =	ssyncadd.s32 $0xFFFFFF80  }
0x73: {  	v3 =	vld [tilespmem:$0x80];
	_ =	sdelay $0x4  }
0x74: {  	v4 =	vshll.u32 v3, $0x1  }
0x75: {  	v3 =	vand.u32 $0x7, v3;
	v4 =	vand.u32 $0xFFFFFFF0, v4  }
0x76: {  	v3 =	vor.u32 v3, v4  }
0x77: {  	v4 =	vperm.xlane v3, v0;
	_ =	sdelay $0x1  }
0x78: {  	v3 =	vperm.xlane v3, v2;
	v4 =	vadd.s32 v1, v4;
	_ =	sdelay $0x1  }
0x79: {  	v3 =	vadd.s32 v1, v3;
	_ =	sdelay $0x2  }
0x7a: {  	[tilespmem:s30], [sflag:$0x2] =	stream.indirect_vreg.gather [hbm4b:s1+s3], $0x80, v4, vm0, $0xb8;
	[tilespmem:$0x18100] =	vst v63  }
0x7b: {  	s13 =	simm.s32 $0x8900  }
0x7c: {  	[tilespmem:s13], [sflag:$0x2] =	stream.indirect_vreg.gather [hbm4b:s1+s3], $0x80, v3, vm0, $0xb8;
	[tilespmem:$0x18100] =	vst v63  }
0x7d: {  	v3 =	vld [tilespmem:$0x90];
	_ =	sdelay $0x4  }
0x7e: {  	v4 =	vshll.u32 v3, $0x1  }
0x7f: {  	v3 =	vand.u32 $0x7, v3;
	v4 =	vand.u32 $0xFFFFFFF0, v4  }
0x80: {  	v3 =	vor.u32 v3, v4  }
0x81: {  	v4 =	vperm.xlane v3, v0;
	_ =	sdelay $0x1  }
0x82: {  	v3 =	vperm.xlane v3, v2;
	v4 =	vadd.s32 v1, v4;
	_ =	sdelay $0x1  }
0x83: {  	v3 =	vadd.s32 v1, v3;
	_ =	sdelay $0x1  }
0x84: {  	s14 =	simm.s32 $0x9100  }
0x85: {  	[tilespmem:s14], [sflag:$0x2] =	stream.indirect_vreg.gather [hbm4b:s1+s3], $0x80, v4, vm0, $0xb8;
	[tilespmem:$0x18100] =	vst v63  }
0x86: {  	s15 =	simm.s32 $0x9900  }
0x87: {  	[tilespmem:s15], [sflag:$0x2] =	stream.indirect_vreg.gather [hbm4b:s1+s3], $0x80, v3, vm0, $0xb8;
	[tilespmem:$0x18100] =	vst v63  }
0x88: {  	v3 =	vld [tilespmem:$0xA0];
	_ =	sdelay $0x4  }
0x89: {  	v4 =	vshll.u32 v3, $0x1  }
0x8a: {  	v3 =	vand.u32 $0x7, v3;
	v4 =	vand.u32 $0xFFFFFFF0, v4  }
0x8b: {  	v3 =	vor.u32 v3, v4  }
0x8c: {  	v4 =	vperm.xlane v3, v0;
	_ =	sdelay $0x1  }
0x8d: {  	v3 =	vperm.xlane v3, v2;
	v4 =	vadd.s32 v1, v4;
	_ =	sdelay $0x1  }
0x8e: {  	v3 =	vadd.s32 v1, v3;
	_ =	sdelay $0x1  }
0x8f: {  	s2 =	simm.s32 $0xA100  }
0x90: {  	[tilespmem:s2], [sflag:$0x2] =	stream.indirect_vreg.gather [hbm4b:s1+s3], $0x80, v4, vm0, $0xb8;
	[tilespmem:$0x18100] =	vst v63  }
0x91: {  	s13 =	simm.s32 $0xA900  }
0x92: {  	[tilespmem:s13], [sflag:$0x2] =	stream.indirect_vreg.gather [hbm4b:s1+s3], $0x80, v3, vm0, $0xb8;
	[tilespmem:$0x18100] =	vst v63  }
0x93: {  	v3 =	vld [tilespmem:$0xB0];
	_ =	sdelay $0x4  }
0x94: {  	v4 =	vshll.u32 v3, $0x1  }
0x95: {  	v3 =	vand.u32 $0x7, v3;
	v4 =	vand.u32 $0xFFFFFFF0, v4  }
0x96: {  	v3 =	vor.u32 v3, v4  }
0x97: {  	v4 =	vperm.xlane v3, v0;
	_ =	sdelay $0x1  }
0x98: {  	v3 =	vperm.xlane v3, v2;
	v4 =	vadd.s32 v1, v4;
	_ =	sdelay $0x1  }
0x99: {  	v3 =	vadd.s32 v1, v3;
	_ =	sdelay $0x1  }
0x9a: {  	s14 =	simm.s32 $0xB100  }
0x9b: {  	[tilespmem:s14], [sflag:$0x2] =	stream.indirect_vreg.gather [hbm4b:s1+s3], $0x80, v4, vm0, $0xb8;
	[tilespmem:$0x18100] =	vst v63  }
0x9c: {  	_ = 	snop  }
0x9d: {  	[tilespmem:s16], [sflag:$0x2] =	stream.indirect_vreg.gather [hbm4b:s1+s3], $0x80, v3, vm0, $0xb8;
	[tilespmem:$0x18100] =	vst v63  }
0x9e: {  	v3 =	vld [tilespmem:$0xC0];
	_ =	sdelay $0x4  }
0x9f: {  	v4 =	vshll.u32 v3, $0x1  }
0xa0: {  	v3 =	vand.u32 $0x7, v3;
	v4 =	vand.u32 $0xFFFFFFF0, v4  }
0xa1: {  	v3 =	vor.u32 v3, v4  }
0xa2: {  	v4 =	vperm.xlane v3, v0;
	_ =	sdelay $0x1  }
0xa3: {  	v3 =	vperm.xlane v3, v2;
	v4 =	vadd.s32 v1, v4;
	_ =	sdelay $0x1  }
0xa4: {  	v3 =	vadd.s32 v1, v3;
	_ =	sdelay $0x2  }
0xa5: {  	[tilespmem:s17], [sflag:$0x2] =	stream.indirect_vreg.gather [hbm4b:s1+s3], $0x80, v4, vm0, $0xb8;
	[tilespmem:$0x18100] =	vst v63  }
0xa6: {  	_ = 	snop  }
0xa7: {  	[tilespmem:s18], [sflag:$0x2] =	stream.indirect_vreg.gather [hbm4b:s1+s3], $0x80, v3, vm0, $0xb8;
	[tilespmem:$0x18100] =	vst v63  }
0xa8: {  	v3 =	vld [tilespmem:$0xD0];
	_ =	sdelay $0x4  }
0xa9: {  	v4 =	vshll.u32 v3, $0x1  }
0xaa: {  	v3 =	vand.u32 $0x7, v3;
	v4 =	vand.u32 $0xFFFFFFF0, v4  }
0xab: {  	v3 =	vor.u32 v3, v4  }
0xac: {  	v4 =	vperm.xlane v3, v0;
	_ =	sdelay $0x1  }
0xad: {  	v3 =	vperm.xlane v3, v2;
	v4 =	vadd.s32 v1, v4;
	_ =	sdelay $0x1  }
0xae: {  	v3 =	vadd.s32 v1, v3;
	_ =	sdelay $0x2  }
0xaf: {  	[tilespmem:s19], [sflag:$0x2] =	stream.indirect_vreg.gather [hbm4b:s1+s3], $0x80, v4, vm0, $0xb8;
	[tilespmem:$0x18100] =	vst v63  }
0xb0: {  	_ = 	snop  }
0xb1: {  	[tilespmem:s20], [sflag:$0x2] =	stream.indirect_vreg.gather [hbm4b:s1+s3], $0x80, v3, vm0, $0xb8;
	[tilespmem:$0x18100] =	vst v63  }
0xb2: {  	v3 =	vld [tilespmem:$0xE0];
	_ =	sdelay $0x4  }
0xb3: {  	v4 =	vshll.u32 v3, $0x1  }
0xb4: {  	v3 =	vand.u32 $0x7, v3;
	v4 =	vand.u32 $0xFFFFFFF0, v4  }
0xb5: {  	v3 =	vor.u32 v3, v4  }
0xb6: {  	v4 =	vperm.xlane v3, v0;
	_ =	sdelay $0x1  }
0xb7: {  	v3 =	vperm.xlane v3, v2;
	v4 =	vadd.s32 v1, v4;
	_ =	sdelay $0x1  }
0xb8: {  	v3 =	vadd.s32 v1, v3;
	_ =	sdelay $0x2  }
0xb9: {  	[tilespmem:s21], [sflag:$0x2] =	stream.indirect_vreg.gather [hbm4b:s1+s3], $0x80, v4, vm0, $0xb8;
	[tilespmem:$0x18100] =	vst v63  }
0xba: {  	_ = 	snop  }
0xbb: {  	[tilespmem:s22], [sflag:$0x2] =	stream.indirect_vreg.gather [hbm4b:s1+s3], $0x80, v3, vm0, $0xb8;
	[tilespmem:$0x18100] =	vst v63  }
0xbc: {  	v3 =	vld [tilespmem:$0xF0];
	_ =	sdelay $0x4  }
0xbd: {  	v4 =	vshll.u32 v3, $0x1  }
0xbe: {  	v3 =	vand.u32 $0x7, v3;
	v4 =	vand.u32 $0xFFFFFFF0, v4  }
0xbf: {  	v3 =	vor.u32 v3, v4  }
0xc0: {  	v4 =	vperm.xlane v3, v0;
	_ =	sdelay $0x1  }
0xc1: {  	v3 =	vperm.xlane v3, v2;
	v4 =	vadd.s32 v1, v4;
	_ =	sdelay $0x1  }
0xc2: {  	v3 =	vadd.s32 v1, v3;
	_ =	sdelay $0x2  }
0xc3: {  	[tilespmem:s23], [sflag:$0x2] =	stream.indirect_vreg.gather [hbm4b:s1+s3], $0x80, v4, vm0, $0xb8;
	[tilespmem:$0x18100] =	vst v63  }
0xc4: {  	_ = 	snop  }
0xc5: {  	[tilespmem:s24], [sflag:$0x2] =	stream.indirect_vreg.gather [hbm4b:s1+s3], $0x80, v3, vm0, $0xb8;
	[tilespmem:$0x18100] =	vst v63  }
0xc6: {  	_ = 	snop  }
0xc7: {  	[tilespmem:s25], [sflag:$0x4] =	stream.linear.gather [hbm4b:s6+s3], $0x8000, $0x38;
	[tilespmem:$0x18100] =	vst v63  }
0xc8: {  	_ =	swait.ge [sflag:s11], $0x8000  }
0xc9: {  	[sflag:s11] =	ssyncset.done $0x0  }
0xca: {  	[sflag:s11] =	ssyncadd.s32 $0xFFFF8000  }
0xcb: {  	_ =	swait.ge [sflag:s26], $0x8000  }
0xcc: {  	s15 =	sand.u32 $0x7800, s3;
	s2 =	sand.u32 $0x380, s3;
	[sflag:s26] =	ssyncset.done $0x0  }
0xcd: {  	s0 =	sor.u32 s2, s15;
	[sflag:s26] =	ssyncadd.s32 $0xFFFF8000  }
0xce: {  	v3 =	vld [tilespmem:s0+$0x10570]  }
0xcf: {  	v4 =	vld [tilespmem:s0+$0x10100]  }
0xd0: {  	v5 =	vld [tilespmem:s0+$0x10110]  }
0xd1: {  	v6 =	vld [tilespmem:s0+$0x10120]  }
0xd2: {  	v7 =	vld [tilespmem:s0+$0x10130]  }
0xd3: {  	v8 =	vld [tilespmem:s0+$0x10140]  }
0xd4: {  	v9 =	vld [tilespmem:s0+$0x10150]  }
0xd5: {  	v10 =	vld [tilespmem:s0+$0x10160]  }
0xd6: {  	v11 =	vld [tilespmem:s0+$0x10170]  }
0xd7: {  	v12 =	vld [tilespmem:s0+$0x10500]  }
0xd8: {  	v13 =	vld [tilespmem:s0+$0x10510]  }
0xd9: {  	v14 =	vld [tilespmem:s0+$0x10520]  }
0xda: {  	v15 =	vld [tilespmem:s0+$0x10530]  }
0xdb: {  	v16 =	vld [tilespmem:s0+$0x10540]  }
0xdc: {  	v17 =	vld [tilespmem:s0+$0x10550]  }
0xdd: {  	[tilespmem:s0+$0x570] =	vst.add.f32.msk $0xffff, v3  }
0xde: {  	v3 =	vld [tilespmem:s0+$0x10560]  }
0xdf: {  	[tilespmem:s0+$0x100] =	vst.add.f32.msk $0xffff, v4  }
0xe0: {  	[tilespmem:s0+$0x110] =	vst.add.f32.msk $0xffff, v5  }
0xe1: {  	[tilespmem:s0+$0x120] =	vst.add.f32.msk $0xffff, v6  }
0xe2: {  	[tilespmem:s0+$0x130] =	vst.add.f32.msk $0xffff, v7  }
0xe3: {  	[tilespmem:s0+$0x140] =	vst.add.f32.msk $0xffff, v8  }
0xe4: {  	[tilespmem:s0+$0x150] =	vst.add.f32.msk $0xffff, v9  }
0xe5: {  	[tilespmem:s0+$0x160] =	vst.add.f32.msk $0xffff, v10  }
0xe6: {  	[tilespmem:s0+$0x170] =	vst.add.f32.msk $0xffff, v11  }
0xe7: {  	[tilespmem:s0+$0x500] =	vst.add.f32.msk $0xffff, v12  }
0xe8: {  	[tilespmem:s0+$0x510] =	vst.add.f32.msk $0xffff, v13  }
0xe9: {  	[tilespmem:s0+$0x520] =	vst.add.f32.msk $0xffff, v14  }
0xea: {  	[tilespmem:s0+$0x530] =	vst.add.f32.msk $0xffff, v15  }
0xeb: {  	s2 =	simm.s32 $0x80;
	s13 =	simm.s32 $0x100;
	[tilespmem:s0+$0x540] =	vst.add.f32.msk $0xffff, v16  }
0xec: {  	s15 =	sand.u32 $0x380, s2;
	s14 =	sand.u32 $0x7800, s13;
	s13 =	simm.s32 $0x200;
	[tilespmem:s0+$0x550] =	vst.add.f32.msk $0xffff, v17  }
.LBB2_2:
0xed: {  	p0 =	sne.s32 s13, $0x7F00;
	[tilespmem:s0+$0x560] =	vst.add.f32.msk $0xffff, v3;
	s0 =	sor.u32 s15, s14  }
0xee: {  	v3 =	vld [tilespmem:s0+$0x10570]  }
0xef: {  	v4 =	vld [tilespmem:s0+$0x10100]  }
0xf0: {  	v5 =	vld [tilespmem:s0+$0x10110]  }
0xf1: {  	v6 =	vld [tilespmem:s0+$0x10120]  }
0xf2: {  	v7 =	vld [tilespmem:s0+$0x10130]  }
0xf3: {  	[tilespmem:s0+$0x570] =	vst.add.f32.msk $0xffff, v3  }
0xf4: {  	v8 =	vld [tilespmem:s0+$0x10140]  }
0xf5: {  	v9 =	vld [tilespmem:s0+$0x10150]  }
0xf6: {  	v10 =	vld [tilespmem:s0+$0x10160]  }
0xf7: {  	v11 =	vld [tilespmem:s0+$0x10170]  }
0xf8: {  	v12 =	vld [tilespmem:s0+$0x10500]  }
0xf9: {  	v13 =	vld [tilespmem:s0+$0x10510]  }
0xfa: {  	v14 =	vld [tilespmem:s0+$0x10520]  }
0xfb: {  	v15 =	vld [tilespmem:s0+$0x10530]  }
0xfc: {  	v16 =	vld [tilespmem:s0+$0x10540]  }
0xfd: {  	v17 =	vld [tilespmem:s0+$0x10550]  }
0xfe: {  	v3 =	vld [tilespmem:s0+$0x10560]  }
0xff: {  	[tilespmem:s0+$0x100] =	vst.add.f32.msk $0xffff, v4  }
0x100: {  	[tilespmem:s0+$0x110] =	vst.add.f32.msk $0xffff, v5  }
0x101: {  	[tilespmem:s0+$0x120] =	vst.add.f32.msk $0xffff, v6  }
0x102: {  	[tilespmem:s0+$0x130] =	vst.add.f32.msk $0xffff, v7  }
0x103: {  	[tilespmem:s0+$0x140] =	vst.add.f32.msk $0xffff, v8  }
0x104: {  	[tilespmem:s0+$0x150] =	vst.add.f32.msk $0xffff, v9  }
0x105: {  	[tilespmem:s0+$0x160] =	vst.add.f32.msk $0xffff, v10  }
0x106: {  	[tilespmem:s0+$0x170] =	vst.add.f32.msk $0xffff, v11  }
0x107: {  	[tilespmem:s0+$0x500] =	vst.add.f32.msk $0xffff, v12  }
.Ltmp0:
0x108: {  	[tilespmem:s0+$0x510] =	vst.add.f32.msk $0xffff, v13;
	(pc) =	sbr.rel @p0 .LBB2_2-.Ltmp0, $4  }
0x109: {  	[tilespmem:s0+$0x520] =	vst.add.f32.msk $0xffff, v14  }
0x10a: {  	[tilespmem:s0+$0x530] =	vst.add.f32.msk $0xffff, v15  }
0x10b: {  	s2 =	sadd.s32 $0x80, s2;
	[tilespmem:s0+$0x540] =	vst.add.f32.msk $0xffff, v16  }
0x10c: {  	s14 =	sand.u32 $0x7800, s13;
	s13 =	sadd.s32 $0x100, s13;
	s15 =	sand.u32 $0x380, s2;
	[tilespmem:s0+$0x550] =	vst.add.f32.msk $0xffff, v17  }
0x10d: {  	s2 =	sor.u32 s15, s14;
	[tilespmem:s0+$0x560] =	vst.add.f32.msk $0xffff, v3  }
0x10e: {  	v3 =	vld [tilespmem:s2+$0x10570]  }
0x10f: {  	v4 =	vld [tilespmem:s2+$0x10100]  }
0x110: {  	v5 =	vld [tilespmem:s2+$0x10110]  }
0x111: {  	v6 =	vld [tilespmem:s2+$0x10120]  }
0x112: {  	v7 =	vld [tilespmem:s2+$0x10130]  }
0x113: {  	v8 =	vld [tilespmem:s2+$0x10150]  }
0x114: {  	v9 =	vld [tilespmem:s2+$0x10160]  }
0x115: {  	v10 =	vld [tilespmem:s2+$0x10170]  }
0x116: {  	v11 =	vld [tilespmem:s2+$0x10500]  }
0x117: {  	v12 =	vld [tilespmem:s2+$0x10510]  }
0x118: {  	v13 =	vld [tilespmem:s2+$0x10520]  }
0x119: {  	v14 =	vld [tilespmem:s2+$0x10530]  }
0x11a: {  	v15 =	vld [tilespmem:s2+$0x10540]  }
0x11b: {  	v16 =	vld [tilespmem:s2+$0x10550]  }
0x11c: {  	v17 =	vld [tilespmem:s2+$0x10560]  }
0x11d: {  	[tilespmem:s2+$0x570] =	vst.add.f32.msk $0xffff, v3  }
0x11e: {  	v3 =	vld [tilespmem:s2+$0x10140]  }
0x11f: {  	[tilespmem:s2+$0x100] =	vst.add.f32.msk $0xffff, v4  }
0x120: {  	[tilespmem:s2+$0x110] =	vst.add.f32.msk $0xffff, v5  }
0x121: {  	[tilespmem:s2+$0x120] =	vst.add.f32.msk $0xffff, v6  }
0x122: {  	[tilespmem:s2+$0x130] =	vst.add.f32.msk $0xffff, v7  }
0x123: {  	[tilespmem:s2+$0x150] =	vst.add.f32.msk $0xffff, v8  }
0x124: {  	[tilespmem:s2+$0x160] =	vst.add.f32.msk $0xffff, v9  }
0x125: {  	[tilespmem:s2+$0x170] =	vst.add.f32.msk $0xffff, v10  }
0x126: {  	[tilespmem:s2+$0x500] =	vst.add.f32.msk $0xffff, v11  }
0x127: {  	[tilespmem:s2+$0x510] =	vst.add.f32.msk $0xffff, v12  }
0x128: {  	[tilespmem:s2+$0x520] =	vst.add.f32.msk $0xffff, v13  }
0x129: {  	[tilespmem:s2+$0x530] =	vst.add.f32.msk $0xffff, v14  }
0x12a: {  	[tilespmem:s2+$0x540] =	vst.add.f32.msk $0xffff, v15  }
0x12b: {  	[tilespmem:s2+$0x550] =	vst.add.f32.msk $0xffff, v16  }
0x12c: {  	[tilespmem:s2+$0x560] =	vst.add.f32.msk $0xffff, v17  }
0x12d: {  	s14 =	simm.s32 $0x0;
	[tilespmem:s2+$0x140] =	vst.add.f32.msk $0xffff, v3  }
0x12e: {  	[hbm4b:s7+s14] =	stream.linear.scatter [tilespmem:s12], [sflag:$0x3], $0x8000, $0x38;
	[tilespmem:$0x18100] =	vst v63  }
0x12f: {  	_ = 	snop  }
0x130: {  	[tilespmem:s25], [sflag:$0x4] =	stream.linear.gather [hbm4b:s8+s14], $0x8000, $0x38;
	[tilespmem:$0x18100] =	vst v63  }
0x131: {  	_ =	swait.ge [sflag:s11], $0x8000  }
0x132: {  	[sflag:s11] =	ssyncset.done $0x0  }
0x133: {  	[sflag:s11] =	ssyncadd.s32 $0xFFFF8000  }
0x134: {  	_ =	swait.ge [sflag:s28], $0x8000  }
0x135: {  	s15 =	sand.u32 $0x7800, s14;
	s0 =	sand.u32 $0x380, s14;
	[sflag:s28] =	ssyncset.done $0x0  }
0x136: {  	s0 =	sor.u32 s0, s15;
	[sflag:s28] =	ssyncadd.s32 $0xFFFF8000  }
0x137: {  	v3 =	vld [tilespmem:s0+$0x10570]  }
0x138: {  	v4 =	vld [tilespmem:s0+$0x10100]  }
0x139: {  	v5 =	vld [tilespmem:s0+$0x10110]  }
0x13a: {  	v52 =	vld [tilespmem:s0+$0x10120]  }
0x13b: {  	v53 =	vld [tilespmem:s0+$0x10130]  }
0x13c: {  	v54 =	vld [tilespmem:s0+$0x10140]  }
0x13d: {  	v55 =	vld [tilespmem:s0+$0x10150]  }
0x13e: {  	v56 =	vld [tilespmem:s0+$0x10160]  }
0x13f: {  	v57 =	vld [tilespmem:s0+$0x10170]  }
0x140: {  	v58 =	vld [tilespmem:s0+$0x10500]  }
0x141: {  	v59 =	vld [tilespmem:s0+$0x10510]  }
0x142: {  	v60 =	vld [tilespmem:s0+$0x10520]  }
0x143: {  	v61 =	vld [tilespmem:s0+$0x10530]  }
0x144: {  	v62 =	vld [tilespmem:s0+$0x10540]  }
0x145: {  	v63 =	vld [tilespmem:s0+$0x10550]  }
0x146: {  	[tilespmem:s0+$0x8570] =	vst.add.f32.msk $0xffff, v3  }
0x147: {  	v3 =	vld [tilespmem:s0+$0x10560]  }
0x148: {  	[tilespmem:s0+$0x8100] =	vst.add.f32.msk $0xffff, v4  }
0x149: {  	[tilespmem:s0+$0x8110] =	vst.add.f32.msk $0xffff, v5  }
0x14a: {  	[tilespmem:s0+$0x8120] =	vst.add.f32.msk $0xffff, v52  }
0x14b: {  	[tilespmem:s0+$0x8130] =	vst.add.f32.msk $0xffff, v53  }
0x14c: {  	[tilespmem:s0+$0x8140] =	vst.add.f32.msk $0xffff, v54  }
0x14d: {  	[tilespmem:s0+$0x8150] =	vst.add.f32.msk $0xffff, v55  }
0x14e: {  	[tilespmem:s0+$0x8160] =	vst.add.f32.msk $0xffff, v56  }
0x14f: {  	[tilespmem:s0+$0x8170] =	vst.add.f32.msk $0xffff, v57  }
0x150: {  	[tilespmem:s0+$0x8500] =	vst.add.f32.msk $0xffff, v58  }
0x151: {  	[tilespmem:s0+$0x8510] =	vst.add.f32.msk $0xffff, v59  }
0x152: {  	[tilespmem:s0+$0x8520] =	vst.add.f32.msk $0xffff, v60  }
0x153: {  	[tilespmem:s0+$0x8530] =	vst.add.f32.msk $0xffff, v61  }
0x154: {  	s13 =	simm.s32 $0x100;
	s2 =	simm.s32 $0x80;
	[tilespmem:s0+$0x8540] =	vst.add.f32.msk $0xffff, v62  }
0x155: {  	s15 =	sand.u32 $0x380, s2;
	s14 =	sand.u32 $0x7800, s13;
	s13 =	simm.s32 $0x200;
	[tilespmem:s0+$0x8550] =	vst.add.f32.msk $0xffff, v63  }
.LBB2_4:
0x156: {  	p0 =	sne.s32 s13, $0x7F00;
	[tilespmem:s0+$0x8560] =	vst.add.f32.msk $0xffff, v3;
	s0 =	sor.u32 s15, s14  }
0x157: {  	v3 =	vld [tilespmem:s0+$0x10570]  }
0x158: {  	v4 =	vld [tilespmem:s0+$0x10100]  }
0x159: {  	v5 =	vld [tilespmem:s0+$0x10110]  }
0x15a: {  	v6 =	vld [tilespmem:s0+$0x10120]  }
0x15b: {  	v7 =	vld [tilespmem:s0+$0x10130]  }
0x15c: {  	[tilespmem:s0+$0x8570] =	vst.add.f32.msk $0xffff, v3  }
0x15d: {  	v8 =	vld [tilespmem:s0+$0x10140]  }
0x15e: {  	v9 =	vld [tilespmem:s0+$0x10150]  }
0x15f: {  	v10 =	vld [tilespmem:s0+$0x10160]  }
0x160: {  	v11 =	vld [tilespmem:s0+$0x10170]  }
0x161: {  	v12 =	vld [tilespmem:s0+$0x10500]  }
0x162: {  	v13 =	vld [tilespmem:s0+$0x10510]  }
0x163: {  	v14 =	vld [tilespmem:s0+$0x10520]  }
0x164: {  	v15 =	vld [tilespmem:s0+$0x10530]  }
0x165: {  	v16 =	vld [tilespmem:s0+$0x10540]  }
0x166: {  	v17 =	vld [tilespmem:s0+$0x10550]  }
0x167: {  	v3 =	vld [tilespmem:s0+$0x10560]  }
0x168: {  	[tilespmem:s0+$0x8100] =	vst.add.f32.msk $0xffff, v4  }
0x169: {  	[tilespmem:s0+$0x8110] =	vst.add.f32.msk $0xffff, v5  }
0x16a: {  	[tilespmem:s0+$0x8120] =	vst.add.f32.msk $0xffff, v6  }
0x16b: {  	[tilespmem:s0+$0x8130] =	vst.add.f32.msk $0xffff, v7  }
0x16c: {  	[tilespmem:s0+$0x8140] =	vst.add.f32.msk $0xffff, v8  }
0x16d: {  	[tilespmem:s0+$0x8150] =	vst.add.f32.msk $0xffff, v9  }
0x16e: {  	[tilespmem:s0+$0x8160] =	vst.add.f32.msk $0xffff, v10  }
0x16f: {  	[tilespmem:s0+$0x8170] =	vst.add.f32.msk $0xffff, v11  }
0x170: {  	[tilespmem:s0+$0x8500] =	vst.add.f32.msk $0xffff, v12  }
.Ltmp1:
0x171: {  	[tilespmem:s0+$0x8510] =	vst.add.f32.msk $0xffff, v13;
	(pc) =	sbr.rel @p0 .LBB2_4-.Ltmp1, $4  }
0x172: {  	[tilespmem:s0+$0x8520] =	vst.add.f32.msk $0xffff, v14  }
0x173: {  	[tilespmem:s0+$0x8530] =	vst.add.f32.msk $0xffff, v15  }
0x174: {  	s2 =	sadd.s32 $0x80, s2;
	[tilespmem:s0+$0x8540] =	vst.add.f32.msk $0xffff, v16  }
0x175: {  	s14 =	sand.u32 $0x7800, s13;
	s13 =	sadd.s32 $0x100, s13;
	s15 =	sand.u32 $0x380, s2;
	[tilespmem:s0+$0x8550] =	vst.add.f32.msk $0xffff, v17  }
0x176: {  	s2 =	sor.u32 s15, s14;
	[tilespmem:s0+$0x8560] =	vst.add.f32.msk $0xffff, v3  }
0x177: {  	v3 =	vld [tilespmem:s2+$0x10570]  }
0x178: {  	v4 =	vld [tilespmem:s2+$0x10100]  }
0x179: {  	v5 =	vld [tilespmem:s2+$0x10110]  }
0x17a: {  	v6 =	vld [tilespmem:s2+$0x10120]  }
0x17b: {  	v7 =	vld [tilespmem:s2+$0x10130]  }
0x17c: {  	v8 =	vld [tilespmem:s2+$0x10150]  }
0x17d: {  	v9 =	vld [tilespmem:s2+$0x10160]  }
0x17e: {  	v10 =	vld [tilespmem:s2+$0x10170]  }
0x17f: {  	v11 =	vld [tilespmem:s2+$0x10500]  }
0x180: {  	v12 =	vld [tilespmem:s2+$0x10510]  }
0x181: {  	v13 =	vld [tilespmem:s2+$0x10520]  }
0x182: {  	v14 =	vld [tilespmem:s2+$0x10530]  }
0x183: {  	v15 =	vld [tilespmem:s2+$0x10540]  }
0x184: {  	v16 =	vld [tilespmem:s2+$0x10550]  }
0x185: {  	v17 =	vld [tilespmem:s2+$0x10560]  }
0x186: {  	[tilespmem:s2+$0x8570] =	vst.add.f32.msk $0xffff, v3  }
0x187: {  	v3 =	vld [tilespmem:s2+$0x10140]  }
0x188: {  	[tilespmem:s2+$0x8100] =	vst.add.f32.msk $0xffff, v4  }
0x189: {  	[tilespmem:s2+$0x8110] =	vst.add.f32.msk $0xffff, v5  }
0x18a: {  	[tilespmem:s2+$0x8120] =	vst.add.f32.msk $0xffff, v6  }
0x18b: {  	[tilespmem:s2+$0x8130] =	vst.add.f32.msk $0xffff, v7  }
0x18c: {  	[tilespmem:s2+$0x8150] =	vst.add.f32.msk $0xffff, v8  }
0x18d: {  	[tilespmem:s2+$0x8160] =	vst.add.f32.msk $0xffff, v9  }
0x18e: {  	[tilespmem:s2+$0x8170] =	vst.add.f32.msk $0xffff, v10  }
0x18f: {  	[tilespmem:s2+$0x8500] =	vst.add.f32.msk $0xffff, v11  }
0x190: {  	[tilespmem:s2+$0x8510] =	vst.add.f32.msk $0xffff, v12  }
0x191: {  	[tilespmem:s2+$0x8520] =	vst.add.f32.msk $0xffff, v13  }
0x192: {  	[tilespmem:s2+$0x8530] =	vst.add.f32.msk $0xffff, v14  }
0x193: {  	[tilespmem:s2+$0x8540] =	vst.add.f32.msk $0xffff, v15  }
0x194: {  	[tilespmem:s2+$0x8550] =	vst.add.f32.msk $0xffff, v16  }
0x195: {  	[tilespmem:s2+$0x8560] =	vst.add.f32.msk $0xffff, v17  }
0x196: {  	s31 =	sadd.s32 $0x1, s31;
	[tilespmem:s2+$0x8140] =	vst.add.f32.msk $0xffff, v3  }
0x197: {  	[hbm4b:s9+s3] =	stream.linear.scatter [tilespmem:s30], [sflag:$0x4], $0x8000, $0x38;
	[tilespmem:$0x18100] =	vst v63  }
0x198: {  	p0 =	sne.s32 s31, s10;
	_ =	swait.ge [sflag:s11], $0x8000  }
.Ltmp2:
0x199: {  	[sflag:s11] =	ssyncset.done $0x0;
	(pc) =	sbr.rel @p0 .LBB2_1-.Ltmp2, $4  }
0x19a: {  	[sflag:s11] =	ssyncadd.s32 $0xFFFF8000  }
0x19b: {  	_ =	swait.ge [sflag:s29], $0x8000  }
0x19c: {  	[sflag:s29] =	ssyncset.done $0x0  }
0x19d: {  	[sflag:s29] =	ssyncadd.s32 $0xFFFF8000  }
0x19e: {  	_ =	sfence.sel $0x180000  }
0x19f: {  	[bflag:$0x0] =	sbarrier.arrive $0xFFFF  }
0x1a0: {  	_ =	strace $0x90000047  }
0x1a1: {  	s0 =	stileid.u32;
	[bflag:$0x2] =	sbarrier.arrive $0xFFFF  }
0x1a2: {  	p0 =	sne.s32 s0, $0x0;
	s0 =	rddreg [dreg:$0x4]  }
0x1a3: {  	s0 =	sadd.s32 @!p0 $0x100000, s0  }
0x1a4: {  	[sflag:s0] =	ssyncadd.tile.s32 @!p0 $0x1;
	_ =	shalt  }
.Lfunc_end2:
_tile_overlayer_lowered:
.L_overlay_start_2:
0x1a5: {  	(tag) =	ssettag $0x2  }
0x1a6: {  	s0 =	rddreg [dreg:$0x0];
	s2 =	stileid.u32  }
0x1a7: {  	s1 =	rddreg [dreg:$0x1];
	p0 =	sne.s32 s2, $0x0  }
0x1a8: {  	s3 =	rddreg [dreg:$0x2];
	[bflag:$0x3] =	sbarrier.arrive $0xFFFF;
	s2 =	simm.s32 @!p0 $0x1C04  }
0x1a9: {  	[timem:s3], [sflag:s2] =	dma.local @!p0 [hbm:s0], s1  }
0x1aa: {  	s0 =	simm.s32 @!p0 $0x4  }
0x1ab: {  	_ =	swait.ge @!p0 [sflag:s0], s1  }
0x1ac: {  	s1 =	ssub.s32 @!p0 $0x0, s1;
	[sflag:s0] =	ssyncset.done @!p0 $0x0  }
0x1ad: {  	[sflag:s0] =	ssyncadd.s32 @!p0 s1  }
0x1ae: {  	[bflag:$0x3] =	sbarrier.arrive $0xFFFF  }
0x1af: {  	_ =	shalt  }

</sc_bundles>
